<compile_context>
chip_gen: v7x
topology: tpu7x:2x2x1
jax: 0.10.2.dev20260603
libtpu: 0.0.44.dev20260713+nightly
codegen_flags: <defaults>
</compile_context>

<pallas_src>
import functools

import jax
import jax.numpy as jnp
from jax import lax
from jax.experimental import pallas as pl
from jax.experimental.pallas import tpu as pltpu
from jax.experimental.pallas import tpu_sc as plsc

D = 128
NC = 2
NS = 16
NW = NC * NS
LANES = 16
CHUNK = 80



def _pre_body(nf_ref, ws_ref, wd_ref, p_ref, q_ref):
    nf = nf_ref[...]
    p_ref[...] = jnp.dot(nf, ws_ref[...], preferred_element_type=jnp.float32)
    q_ref[...] = jnp.dot(nf, wd_ref[...], preferred_element_type=jnp.float32)


def _edge_body(ef_ref, sp_ref, sq_ref, w1_ref, b1_ref, w2_ref, b2_ref,
               ne_ref, eo_ref):
    ef = ef_ref[...]
    h = jnp.dot(ef, w1_ref[...], preferred_element_type=jnp.float32)
    h = jnp.maximum(h + sp_ref[...] + sq_ref[...] + b1_ref[...], 0.0)
    ne = jnp.dot(h, w2_ref[...], preferred_element_type=jnp.float32) + b2_ref[...]
    ne_ref[...] = ne
    eo_ref[...] = ne + ef


def _node_body(nf_ref, a0_ref, a1_ref, w1a_ref, w1b_ref,
               b1_ref, w2_ref, b2_ref, out_ref):
    nf = nf_ref[...]
    agg = a0_ref[...] + a1_ref[...]
    x = jnp.dot(nf, w1a_ref[...], preferred_element_type=jnp.float32)
    x = x + jnp.dot(agg, w1b_ref[...], preferred_element_type=jnp.float32)
    h = jnp.maximum(x + b1_ref[...], 0.0)
    out_ref[...] = (jnp.dot(h, w2_ref[...], preferred_element_type=jnp.float32)
                    + b2_ref[...] + nf)



def _gather_body(p_hbm, q_hbm, src3_hbm, dst3_hbm, gp_hbm, gq_hbm,
                 idx_s, idx_d, buf_a, buf_b, sem_a, sem_b, sem_oa, sem_ob):
    w = lax.axis_index("c") * NS + lax.axis_index("s")
    n_chunks, chunk = idx_s.shape
    e_per_w = n_chunks * chunk
    base_w = w * e_per_w

    pltpu.sync_copy(src3_hbm.at[w], idx_s)
    pltpu.sync_copy(dst3_hbm.at[w], idx_d)

    def issue(j, p):
        pltpu.async_copy(p_hbm.at[idx_s.at[j]], buf_a[p], sem_a[p])
        pltpu.async_copy(q_hbm.at[idx_d.at[j]], buf_b[p], sem_b[p])

    def process(j, p):
        pltpu.make_async_copy(p_hbm.at[idx_s.at[j]], buf_a[p], sem_a[p]).wait()
        pltpu.make_async_copy(q_hbm.at[idx_d.at[j]], buf_b[p], sem_b[p]).wait()
        sl = pl.ds(base_w + j * chunk, chunk)
        pltpu.async_copy(buf_a[p], gp_hbm.at[sl], sem_oa[p])
        pltpu.async_copy(buf_b[p], gq_hbm.at[sl], sem_ob[p])

    def drain_out(j, p):
        sl = pl.ds(base_w + j * chunk, chunk)
        pltpu.make_async_copy(buf_a[p], gp_hbm.at[sl], sem_oa[p]).wait()
        pltpu.make_async_copy(buf_b[p], gq_hbm.at[sl], sem_ob[p]).wait()

    issue(0, 0)
    issue(1, 1)

    def pair_body(u, carry):
        process(2 * u, 0)
        process(2 * u + 1, 1)
        drain_out(2 * u, 0)
        issue(2 * u + 2, 0)
        drain_out(2 * u + 1, 1)
        issue(2 * u + 3, 1)
        return carry

    n_pairs = (n_chunks - 3) // 2
    lax.fori_loop(0, n_pairs, pair_body, 0)
    j0 = 2 * n_pairs
    process(j0, 0)
    process(j0 + 1, 1)
    drain_out(j0, 0)
    issue(j0 + 2, 0)
    process(j0 + 2, 0)
    drain_out(j0 + 1, 1)
    drain_out(j0 + 2, 0)


def _scatter_body(n_nodes, ne_hbm, dst3_hbm, agg_hbm,
                  idx_v, buf, zbuf, acc, sem):
    cid = lax.axis_index("c")
    sid = lax.axis_index("s")
    rows_per_tile = (n_nodes // NS) // 8 * 8
    tail_rows = n_nodes - NS * rows_per_tile
    zrows = zbuf.shape[0]

    def zero_row(r, carry):
        for c in range(D // LANES):
            zbuf[r, pl.ds(c * LANES, LANES)] = jnp.zeros((LANES,), jnp.float32)
        return carry

    lax.fori_loop(0, zrows, zero_row, 0)
    for b in range(rows_per_tile // zrows):
        pltpu.sync_copy(zbuf, acc.at[pl.ds(sid * rows_per_tile + b * zrows, zrows)])

    @pl.when(sid == 0)
    def _zero_tail():
        pltpu.sync_copy(zbuf.at[pl.ds(0, tail_rows)],
                        acc.at[pl.ds(NS * rows_per_tile, tail_rows)])

    plsc.subcore_barrier()

    w = cid * NS + sid
    n_chunks, chunk = idx_v.shape
    e_per_w = n_chunks * chunk
    base_w = w * e_per_w
    pltpu.sync_copy(dst3_hbm.at[w], idx_v)

    def issue(j, p):
        pltpu.async_copy(ne_hbm.at[pl.ds(base_w + j * chunk, chunk)], buf[p],
                         sem[p])

    def process(j, p):
        pltpu.make_async_copy(ne_hbm.at[pl.ds(base_w + j * chunk, chunk)],
                              buf[p], sem[p]).wait()
        pltpu.sync_copy(buf[p], acc.at[idx_v.at[j]], add=True)

    issue(0, 0)
    issue(1, 1)

    def pair_body(u, carry):
        process(2 * u, 0)
        issue(2 * u + 2, 0)
        process(2 * u + 1, 1)
        issue(2 * u + 3, 1)
        return carry

    n_pairs = (n_chunks - 3) // 2
    lax.fori_loop(0, n_pairs, pair_body, 0)
    j0 = 2 * n_pairs
    process(j0, 0)
    issue(j0 + 2, 0)
    process(j0 + 1, 1)
    process(j0 + 2, 0)
    plsc.subcore_barrier()
    r0 = sid * rows_per_tile
    pltpu.sync_copy(acc.at[pl.ds(r0, rows_per_tile)],
                    agg_hbm.at[cid, pl.ds(r0, rows_per_tile)])

    @pl.when(sid == 0)
    def _write_tail():
        pltpu.sync_copy(acc.at[pl.ds(NS * rows_per_tile, tail_rows)],
                        agg_hbm.at[cid, pl.ds(NS * rows_per_tile, tail_rows)])



def _tc_pre(node_feat, w_src, w_dst, block):
    n = node_feat.shape[0]
    sds = jax.ShapeDtypeStruct((n, D), jnp.float32)
    return pl.pallas_call(
        _pre_body,
        grid=(n // block,),
        in_specs=[
            pl.BlockSpec((block, D), lambda i: (i, 0)),
            pl.BlockSpec((D, D), lambda i: (0, 0)),
            pl.BlockSpec((D, D), lambda i: (0, 0)),
        ],
        out_specs=[pl.BlockSpec((block, D), lambda i: (i, 0))] * 2,
        out_shape=[sds, sds],
    )(node_feat, w_src, w_dst)


def _tc_edge(edge_feat, gp, gq, w1, b1, w2, b2, block):
    e = edge_feat.shape[0]
    sds = jax.ShapeDtypeStruct((e, D), jnp.float32)
    return pl.pallas_call(
        _edge_body,
        grid=(e // block,),
        in_specs=[
            pl.BlockSpec((block, D), lambda i: (i, 0)),
            pl.BlockSpec((block, D), lambda i: (i, 0)),
            pl.BlockSpec((block, D), lambda i: (i, 0)),
            pl.BlockSpec((D, D), lambda i: (0, 0)),
            pl.BlockSpec((1, D), lambda i: (0, 0)),
            pl.BlockSpec((D, D), lambda i: (0, 0)),
            pl.BlockSpec((1, D), lambda i: (0, 0)),
        ],
        out_specs=[pl.BlockSpec((block, D), lambda i: (i, 0))] * 2,
        out_shape=[sds, sds],
    )(edge_feat, gp, gq, w1, b1, w2, b2)


def _tc_node(node_feat, a0, a1, w1a, w1b, b1, w2, b2, block):
    n = node_feat.shape[0]
    return pl.pallas_call(
        _node_body,
        grid=(n // block,),
        in_specs=[
            pl.BlockSpec((block, D), lambda i: (i, 0)),
            pl.BlockSpec((block, D), lambda i: (i, 0)),
            pl.BlockSpec((block, D), lambda i: (i, 0)),
            pl.BlockSpec((D, D), lambda i: (0, 0)),
            pl.BlockSpec((D, D), lambda i: (0, 0)),
            pl.BlockSpec((1, D), lambda i: (0, 0)),
            pl.BlockSpec((D, D), lambda i: (0, 0)),
            pl.BlockSpec((1, D), lambda i: (0, 0)),
        ],
        out_specs=pl.BlockSpec((block, D), lambda i: (i, 0)),
        out_shape=jax.ShapeDtypeStruct((n, D), jnp.float32),
    )(node_feat, a0, a1, w1a, w1b, b1, w2, b2)


def _sc_gather(p, q, src3, dst3):
    nw, n_chunks, chunk = src3.shape
    e_sl = nw * n_chunks * chunk
    mesh = plsc.VectorSubcoreMesh(core_axis_name="c", subcore_axis_name="s",
                                  num_cores=NC, num_subcores=NS)
    k = pl.kernel(
        _gather_body,
        out_type=[jax.ShapeDtypeStruct((e_sl, D), jnp.float32),
                  jax.ShapeDtypeStruct((e_sl, D), jnp.float32)],
        mesh=mesh,
        scratch_types=[
            pltpu.VMEM((n_chunks, chunk), jnp.int32),
            pltpu.VMEM((n_chunks, chunk), jnp.int32),
            [pltpu.VMEM((chunk, D), jnp.float32)] * 2,
            [pltpu.VMEM((chunk, D), jnp.float32)] * 2,
            [pltpu.SemaphoreType.DMA] * 2,
            [pltpu.SemaphoreType.DMA] * 2,
            [pltpu.SemaphoreType.DMA] * 2,
            [pltpu.SemaphoreType.DMA] * 2,
        ],
    )
    return k(p, q, src3, dst3)


def _sc_scatter(ne, dst3, n_nodes):
    nw, n_chunks, chunk = dst3.shape
    zrows = ((n_nodes // NS) // 8 * 8) // 6
    mesh = plsc.VectorSubcoreMesh(core_axis_name="c", subcore_axis_name="s",
                                  num_cores=NC, num_subcores=NS)
    k = pl.kernel(
        functools.partial(_scatter_body, n_nodes),
        out_type=jax.ShapeDtypeStruct((NC, n_nodes, D), jnp.float32),
        mesh=mesh,
        scratch_types=[
            pltpu.VMEM((n_chunks, chunk), jnp.int32),
            [pltpu.VMEM((chunk, D), jnp.float32)] * 2,
            pltpu.VMEM((zrows, D), jnp.float32),
            pltpu.VMEM_SHARED((n_nodes, D), jnp.float32),
            [pltpu.SemaphoreType.DMA] * 2,
        ],
    )
    return k(ne, dst3)


def kernel(node_feat, edge_feat, edge_index, We1, be1, We2, be2, Wn1, bn1,
           Wn2, bn2):
    n = node_feat.shape[0]
    e = edge_feat.shape[0]
    n_chunks = (e // NW) // CHUNK
    src3 = edge_index[0].astype(jnp.int32).reshape(NW, n_chunks, CHUNK)
    dst3 = edge_index[1].astype(jnp.int32).reshape(NW, n_chunks, CHUNK)
    w_e = We1[:D]
    w_s = We1[D:2 * D]
    w_d = We1[2 * D:]
    w1a = Wn1[:D]
    w1b = Wn1[D:]
    be1_2d = be1.reshape(1, D)
    be2_2d = be2.reshape(1, D)
    bn1_2d = bn1.reshape(1, D)
    bn2_2d = bn2.reshape(1, D)

    p, q = _tc_pre(node_feat, w_s, w_d, block=2000)
    gp, gq = _sc_gather(p, q, src3, dst3)
    ne, edge_out = _tc_edge(edge_feat, gp, gq, w_e, be1_2d, We2, be2_2d,
                            block=4000)
    aggp = _sc_scatter(ne, dst3, n)
    node_out = _tc_node(node_feat, aggp[0], aggp[1], w1a, w1b, bn1_2d, Wn2,
                        bn2_2d, block=2000)
    return node_out, edge_out

# --- scband reference (transcript-rebuilt; emitter-appended) ---
"""Pipeline reference for scband-graph-network-block-63995012710400 (READ-ONLY COPY).

The authoritative reference and input builder live on the scoring server;
editing this copy changes nothing except your own understanding.
"""

import jax, jax.numpy as jnp
import numpy as np

N_NODES = 10000
N_EDGES = 320000
D = 128
LATENT = 128


def _mlp_params(key, d_in, d_hidden, d_out):
    k1, k2, k3, k4 = jax.random.split(key, 4)
    W1 = jax.random.normal(k1, (d_in, d_hidden), dtype=jnp.float32) * 0.05
    b1 = jnp.zeros((d_hidden,), dtype=jnp.float32)
    W2 = jax.random.normal(k2, (d_hidden, d_out), dtype=jnp.float32) * 0.05
    b2 = jnp.zeros((d_out,), dtype=jnp.float32)
    return W1, b1, W2, b2


def setup_inputs(seed: int = 0) -> dict:
    key = jax.random.key(seed)
    k_node, k_edge, k_idx, k_emlp, k_nmlp = jax.random.split(key, 5)
    node_feat = jax.random.normal(k_node, (N_NODES, D), dtype=jnp.float32)
    edge_feat = jax.random.normal(k_edge, (N_EDGES, D), dtype=jnp.float32)
    edge_index = jax.random.randint(k_idx, (2, N_EDGES), 0, N_NODES, dtype=jnp.int64 if jax.config.jax_enable_x64 else jnp.int32)
    # Edge processor MLP: concat(edge, src_node, dst_node) -> hidden -> latent
    We1, be1, We2, be2 = _mlp_params(k_emlp, 3 * D, LATENT, LATENT)
    # Node processor MLP: concat(node, aggregated_edges) -> hidden -> latent
    Wn1, bn1, Wn2, bn2 = _mlp_params(k_nmlp, 2 * D, LATENT, LATENT)
    return {
        'node_feat': node_feat,
        'edge_feat': edge_feat,
        'edge_index': edge_index,
        'We1': We1, 'be1': be1, 'We2': We2, 'be2': be2,
        'Wn1': Wn1, 'bn1': bn1, 'Wn2': Wn2, 'bn2': bn2,
    }


def reference(node_feat, edge_feat, edge_index, We1, be1, We2, be2, Wn1, bn1, Wn2, bn2):
    src = edge_index[0]
    dst = edge_index[1]
    # ---- edge processor: MLP over [edge_feat, src_node_feat, dst_node_feat] ----
    e_in = jnp.concatenate([edge_feat, jnp.take(node_feat, src, axis=0), jnp.take(node_feat, dst, axis=0)], axis=-1)
    h_e = jax.nn.relu(e_in @ We1 + be1)
    new_edge = h_e @ We2 + be2
    # ---- edge-to-node aggregator: scatter-add (segment sum) onto dst nodes ----
    agg = jax.ops.segment_sum(new_edge, dst, num_segments=N_NODES)
    # ---- node processor: MLP over [node_feat, aggregated_edge_messages] ----
    n_in = jnp.concatenate([node_feat, agg], axis=-1)
    h_n = jax.nn.relu(n_in @ Wn1 + bn1)
    new_node = h_n @ Wn2 + bn2
    # ---- residual connection (graph + graph) ----
    node_out = new_node + node_feat
    edge_out = new_edge + edge_feat
    return node_out, edge_out

if __name__ == "__main__":
    import jax
    _d = setup_inputs()
    print(jax.jit(kernel)(*tuple(_d.values())))

</pallas_src>

<mosaic_0001>
#map = affine_map<(d0, d1) -> (0, 0)>
#map1 = affine_map<(d0, d1) -> (0, 0, 0)>
module attributes {stable_mosaic.version = 14 : i64} {
  func.func @_gather_body(%arg0: i32, %arg1: i32, %arg2: memref<10000x128xf32, #tpu.memory_space<hbm>>, %arg3: memref<10000x128xf32, #tpu.memory_space<hbm>>, %arg4: memref<32x125x80xi32, #tpu.memory_space<hbm>>, %arg5: memref<32x125x80xi32, #tpu.memory_space<hbm>>, %arg6: memref<320000x128xf32, #tpu.memory_space<hbm>>, %arg7: memref<320000x128xf32, #tpu.memory_space<hbm>>, %arg8: memref<125x80xi32, #tpu.memory_space<vmem>>, %arg9: memref<125x80xi32, #tpu.memory_space<vmem>>, %arg10: memref<80x128xf32, #tpu.memory_space<vmem>>, %arg11: memref<80x128xf32, #tpu.memory_space<vmem>>, %arg12: memref<80x128xf32, #tpu.memory_space<vmem>>, %arg13: memref<80x128xf32, #tpu.memory_space<vmem>>, %arg14: memref<!tpu.dma_semaphore, #tpu.memory_space<semaphore_mem>>, %arg15: memref<!tpu.dma_semaphore, #tpu.memory_space<semaphore_mem>>, %arg16: memref<!tpu.dma_semaphore, #tpu.memory_space<semaphore_mem>>, %arg17: memref<!tpu.dma_semaphore, #tpu.memory_space<semaphore_mem>>, %arg18: memref<!tpu.dma_semaphore, #tpu.memory_space<semaphore_mem>>, %arg19: memref<!tpu.dma_semaphore, #tpu.memory_space<semaphore_mem>>, %arg20: memref<!tpu.dma_semaphore, #tpu.memory_space<semaphore_mem>>, %arg21: memref<!tpu.dma_semaphore, #tpu.memory_space<semaphore_mem>>) attributes {dimension_semantics = [#tpu.dimension_semantics<core_parallel>, #tpu.dimension_semantics<subcore_parallel>], iteration_bounds = array<i64: 2, 16>, scalar_prefetch = 0 : i64, scratch_operands = 14 : i64, tpu.core_type = #tpu.core_type<sc_vector_subcore>, window_params = [{transform_indices = #map}, {transform_indices = #map}, {transform_indices = #map1}, {transform_indices = #map1}, {transform_indices = #map}, {transform_indices = #map}]} {
    %mul3A = arith.constant 16 : i32
    %mul3A_0 = arith.muli %arg0, %mul3A : i32
    %add3A = arith.addi %mul3A_0, %arg1 : i32
    %mul3A_1 = arith.constant 10000 : i32
    %mul3A_2 = arith.muli %add3A, %mul3A_1 : i32
    "tpu.region"() ({
      %run_scoped3A = tpu.sem_alloc : memref<!tpu.dma_semaphore, #tpu.memory_space<semaphore_mem>>
      %dma_start3A_150 = arith.constant 0 : i32
      %dma_start3A_151 = arith.constant 0 : i32
      %dma_start3A_152 = tpu.memref_slice %arg4[%add3A, %dma_start3A_150, %dma_start3A_151] : memref<32x125x80xi32, #tpu.memory_space<hbm>> -> memref<1x125x80xi32, #tpu.memory_space<hbm>>
      %dma_start3A_153 = tpu.memref_squeeze %dma_start3A_152 : memref<1x125x80xi32, #tpu.memory_space<hbm>> -> memref<125x80xi32, #tpu.memory_space<hbm>>
      %dma_start3A_154 = arith.constant 0 : i32
      %dma_start3A_155 = arith.constant 0 : i32
      %dma_start3A_156 = tpu.memref_slice %arg4[%add3A, %dma_start3A_154, %dma_start3A_155] : memref<32x125x80xi32, #tpu.memory_space<hbm>> -> memref<1x125x80xi32, #tpu.memory_space<hbm>>
      %dma_start3A_157 = tpu.memref_squeeze %dma_start3A_156 : memref<1x125x80xi32, #tpu.memory_space<hbm>> -> memref<125x80xi32, #tpu.memory_space<hbm>>
      tpu.enqueue_dma source(%dma_start3A_157 : memref<125x80xi32, #tpu.memory_space<hbm>>) target(%arg8 : memref<125x80xi32, #tpu.memory_space<vmem>>) target_semaphore(%run_scoped3A : memref<!tpu.dma_semaphore, #tpu.memory_space<semaphore_mem>>)
      %dma_wait3A_158 = arith.constant 0 : i32
      %dma_wait3A_159 = arith.constant 0 : i32
      %dma_wait3A_160 = tpu.memref_slice %arg4[%add3A, %dma_wait3A_158, %dma_wait3A_159] : memref<32x125x80xi32, #tpu.memory_space<hbm>> -> memref<1x125x80xi32, #tpu.memory_space<hbm>>
      %dma_wait3A_161 = tpu.memref_squeeze %dma_wait3A_160 : memref<1x125x80xi32, #tpu.memory_space<hbm>> -> memref<125x80xi32, #tpu.memory_space<hbm>>
      %dma_wait3A_162 = arith.constant 0 : i32
      %dma_wait3A_163 = arith.constant 0 : i32
      %dma_wait3A_164 = tpu.memref_slice %arg4[%add3A, %dma_wait3A_162, %dma_wait3A_163] : memref<32x125x80xi32, #tpu.memory_space<hbm>> -> memref<1x125x80xi32, #tpu.memory_space<hbm>>
      %dma_wait3A_165 = tpu.memref_squeeze %dma_wait3A_164 : memref<1x125x80xi32, #tpu.memory_space<hbm>> -> memref<125x80xi32, #tpu.memory_space<hbm>>
      tpu.wait_dma2 semaphore(%run_scoped3A : memref<!tpu.dma_semaphore, #tpu.memory_space<semaphore_mem>>) src(%dma_wait3A_165 : memref<125x80xi32, #tpu.memory_space<hbm>>) dst(%arg8 : memref<125x80xi32, #tpu.memory_space<vmem>>)
      tpu.yield
    }) : () -> ()
    "tpu.region"() ({
      %run_scoped3A = tpu.sem_alloc : memref<!tpu.dma_semaphore, #tpu.memory_space<semaphore_mem>>
      %dma_start3A_150 = arith.constant 0 : i32
      %dma_start3A_151 = arith.constant 0 : i32
      %dma_start3A_152 = tpu.memref_slice %arg5[%add3A, %dma_start3A_150, %dma_start3A_151] : memref<32x125x80xi32, #tpu.memory_space<hbm>> -> memref<1x125x80xi32, #tpu.memory_space<hbm>>
      %dma_start3A_153 = tpu.memref_squeeze %dma_start3A_152 : memref<1x125x80xi32, #tpu.memory_space<hbm>> -> memref<125x80xi32, #tpu.memory_space<hbm>>
      %dma_start3A_154 = arith.constant 0 : i32
      %dma_start3A_155 = arith.constant 0 : i32
      %dma_start3A_156 = tpu.memref_slice %arg5[%add3A, %dma_start3A_154, %dma_start3A_155] : memref<32x125x80xi32, #tpu.memory_space<hbm>> -> memref<1x125x80xi32, #tpu.memory_space<hbm>>
      %dma_start3A_157 = tpu.memref_squeeze %dma_start3A_156 : memref<1x125x80xi32, #tpu.memory_space<hbm>> -> memref<125x80xi32, #tpu.memory_space<hbm>>
      tpu.enqueue_dma source(%dma_start3A_157 : memref<125x80xi32, #tpu.memory_space<hbm>>) target(%arg9 : memref<125x80xi32, #tpu.memory_space<vmem>>) target_semaphore(%run_scoped3A : memref<!tpu.dma_semaphore, #tpu.memory_space<semaphore_mem>>)
      %dma_wait3A_158 = arith.constant 0 : i32
      %dma_wait3A_159 = arith.constant 0 : i32
      %dma_wait3A_160 = tpu.memref_slice %arg5[%add3A, %dma_wait3A_158, %dma_wait3A_159] : memref<32x125x80xi32, #tpu.memory_space<hbm>> -> memref<1x125x80xi32, #tpu.memory_space<hbm>>
      %dma_wait3A_161 = tpu.memref_squeeze %dma_wait3A_160 : memref<1x125x80xi32, #tpu.memory_space<hbm>> -> memref<125x80xi32, #tpu.memory_space<hbm>>
      %dma_wait3A_162 = arith.constant 0 : i32
      %dma_wait3A_163 = arith.constant 0 : i32
      %dma_wait3A_164 = tpu.memref_slice %arg5[%add3A, %dma_wait3A_162, %dma_wait3A_163] : memref<32x125x80xi32, #tpu.memory_space<hbm>> -> memref<1x125x80xi32, #tpu.memory_space<hbm>>
      %dma_wait3A_165 = tpu.memref_squeeze %dma_wait3A_164 : memref<1x125x80xi32, #tpu.memory_space<hbm>> -> memref<125x80xi32, #tpu.memory_space<hbm>>
      tpu.wait_dma2 semaphore(%run_scoped3A : memref<!tpu.dma_semaphore, #tpu.memory_space<semaphore_mem>>) src(%dma_wait3A_165 : memref<125x80xi32, #tpu.memory_space<hbm>>) dst(%arg9 : memref<125x80xi32, #tpu.memory_space<vmem>>)
      tpu.yield
    }) : () -> ()
    %dma_start3A = arith.constant 0 : i32
    %dma_start3A_3 = arith.constant 0 : i32
    %dma_start3A_4 = tpu.memref_slice %arg8[%dma_start3A, %dma_start3A_3] : memref<125x80xi32, #tpu.memory_space<vmem>> -> memref<1x80xi32, #tpu.memory_space<vmem>>
    %dma_start3A_5 = tpu.memref_squeeze %dma_start3A_4 : memref<1x80xi32, #tpu.memory_space<vmem>> -> memref<80xi32, #tpu.memory_space<vmem>>
    %dma_start3A_6 = arith.constant 0 : i32
    %dma_start3A_7 = arith.constant 0 : i32
    %dma_start3A_8 = tpu.memref_slice %arg2[%dma_start3A_6, %dma_start3A_7] : memref<10000x128xf32, #tpu.memory_space<hbm>> -> memref<10000x128xf32, #tpu.memory_space<hbm>>
    tpu.enqueue_indirect_dma source(%dma_start3A_8 : memref<10000x128xf32, #tpu.memory_space<hbm>>) target(%arg10 : memref<80x128xf32, #tpu.memory_space<vmem>>) offsets(%dma_start3A_5 : memref<80xi32, #tpu.memory_space<vmem>>) semaphore(%arg14 : memref<!tpu.dma_semaphore, #tpu.memory_space<semaphore_mem>>)
    %dma_start3A_9 = arith.constant 0 : i32
    %dma_start3A_10 = arith.constant 0 : i32
    %dma_start3A_11 = tpu.memref_slice %arg9[%dma_start3A_9, %dma_start3A_10] : memref<125x80xi32, #tpu.memory_space<vmem>> -> memref<1x80xi32, #tpu.memory_space<vmem>>
    %dma_start3A_12 = tpu.memref_squeeze %dma_start3A_11 : memref<1x80xi32, #tpu.memory_space<vmem>> -> memref<80xi32, #tpu.memory_space<vmem>>
    %dma_start3A_13 = arith.constant 0 : i32
    %dma_start3A_14 = arith.constant 0 : i32
    %dma_start3A_15 = tpu.memref_slice %arg3[%dma_start3A_13, %dma_start3A_14] : memref<10000x128xf32, #tpu.memory_space<hbm>> -> memref<10000x128xf32, #tpu.memory_space<hbm>>
    tpu.enqueue_indirect_dma source(%dma_start3A_15 : memref<10000x128xf32, #tpu.memory_space<hbm>>) target(%arg12 : memref<80x128xf32, #tpu.memory_space<vmem>>) offsets(%dma_start3A_12 : memref<80xi32, #tpu.memory_space<vmem>>) semaphore(%arg16 : memref<!tpu.dma_semaphore, #tpu.memory_space<semaphore_mem>>)
    %dma_start3A_16 = arith.constant 1 : i32
    %dma_start3A_17 = arith.constant 0 : i32
    %dma_start3A_18 = tpu.memref_slice %arg8[%dma_start3A_16, %dma_start3A_17] : memref<125x80xi32, #tpu.memory_space<vmem>> -> memref<1x80xi32, #tpu.memory_space<vmem>>
    %dma_start3A_19 = tpu.memref_squeeze %dma_start3A_18 : memref<1x80xi32, #tpu.memory_space<vmem>> -> memref<80xi32, #tpu.memory_space<vmem>>
    %dma_start3A_20 = arith.constant 0 : i32
    %dma_start3A_21 = arith.constant 0 : i32
    %dma_start3A_22 = tpu.memref_slice %arg2[%dma_start3A_20, %dma_start3A_21] : memref<10000x128xf32, #tpu.memory_space<hbm>> -> memref<10000x128xf32, #tpu.memory_space<hbm>>
    tpu.enqueue_indirect_dma source(%dma_start3A_22 : memref<10000x128xf32, #tpu.memory_space<hbm>>) target(%arg11 : memref<80x128xf32, #tpu.memory_space<vmem>>) offsets(%dma_start3A_19 : memref<80xi32, #tpu.memory_space<vmem>>) semaphore(%arg15 : memref<!tpu.dma_semaphore, #tpu.memory_space<semaphore_mem>>)
    %dma_start3A_23 = arith.constant 1 : i32
    %dma_start3A_24 = arith.constant 0 : i32
    %dma_start3A_25 = tpu.memref_slice %arg9[%dma_start3A_23, %dma_start3A_24] : memref<125x80xi32, #tpu.memory_space<vmem>> -> memref<1x80xi32, #tpu.memory_space<vmem>>
    %dma_start3A_26 = tpu.memref_squeeze %dma_start3A_25 : memref<1x80xi32, #tpu.memory_space<vmem>> -> memref<80xi32, #tpu.memory_space<vmem>>
    %dma_start3A_27 = arith.constant 0 : i32
    %dma_start3A_28 = arith.constant 0 : i32
    %dma_start3A_29 = tpu.memref_slice %arg3[%dma_start3A_27, %dma_start3A_28] : memref<10000x128xf32, #tpu.memory_space<hbm>> -> memref<10000x128xf32, #tpu.memory_space<hbm>>
    tpu.enqueue_indirect_dma source(%dma_start3A_29 : memref<10000x128xf32, #tpu.memory_space<hbm>>) target(%arg13 : memref<80x128xf32, #tpu.memory_space<vmem>>) offsets(%dma_start3A_26 : memref<80xi32, #tpu.memory_space<vmem>>) semaphore(%arg17 : memref<!tpu.dma_semaphore, #tpu.memory_space<semaphore_mem>>)
    %scan3A = arith.constant 0 : i32
    %scan3A_30 = arith.constant 0 : i32
    %scan3A_31 = arith.constant 61 : i32
    %scan3A_32 = arith.addi %scan3A_30, %scan3A_31 : i32
    %scan3A_33 = arith.constant 1 : i32
    scf.for %scan3A_150 = %scan3A_30 to %scan3A_32 step %scan3A_33  : i32 {
      %mul3A_151 = arith.constant 2 : i32
      %mul3A_152 = arith.muli %mul3A_151, %scan3A_150 : i32
      %dma_wait3A_153 = arith.constant 0 : i32
      %dma_wait3A_154 = tpu.memref_slice %arg8[%mul3A_152, %dma_wait3A_153] : memref<125x80xi32, #tpu.memory_space<vmem>> -> memref<1x80xi32, #tpu.memory_space<vmem>>
      %dma_wait3A_155 = tpu.memref_squeeze %dma_wait3A_154 : memref<1x80xi32, #tpu.memory_space<vmem>> -> memref<80xi32, #tpu.memory_space<vmem>>
      %dma_wait3A_156 = arith.constant 0 : i32
      %dma_wait3A_157 = arith.constant 0 : i32
      %dma_wait3A_158 = tpu.memref_slice %arg2[%dma_wait3A_156, %dma_wait3A_157] : memref<10000x128xf32, #tpu.memory_space<hbm>> -> memref<10000x128xf32, #tpu.memory_space<hbm>>
      tpu.wait_indirect_dma semaphore(%arg14 : memref<!tpu.dma_semaphore, #tpu.memory_space<semaphore_mem>>) src(%dma_wait3A_158 : memref<10000x128xf32, #tpu.memory_space<hbm>>) dst(%arg10 : memref<80x128xf32, #tpu.memory_space<vmem>>)
      %dma_wait3A_159 = arith.constant 0 : i32
      %dma_wait3A_160 = tpu.memref_slice %arg9[%mul3A_152, %dma_wait3A_159] : memref<125x80xi32, #tpu.memory_space<vmem>> -> memref<1x80xi32, #tpu.memory_space<vmem>>
      %dma_wait3A_161 = tpu.memref_squeeze %dma_wait3A_160 : memref<1x80xi32, #tpu.memory_space<vmem>> -> memref<80xi32, #tpu.memory_space<vmem>>
      %dma_wait3A_162 = arith.constant 0 : i32
      %dma_wait3A_163 = arith.constant 0 : i32
      %dma_wait3A_164 = tpu.memref_slice %arg3[%dma_wait3A_162, %dma_wait3A_163] : memref<10000x128xf32, #tpu.memory_space<hbm>> -> memref<10000x128xf32, #tpu.memory_space<hbm>>
      tpu.wait_indirect_dma semaphore(%arg16 : memref<!tpu.dma_semaphore, #tpu.memory_space<semaphore_mem>>) src(%dma_wait3A_164 : memref<10000x128xf32, #tpu.memory_space<hbm>>) dst(%arg12 : memref<80x128xf32, #tpu.memory_space<vmem>>)
      %mul3A_165 = arith.constant 80 : i32
      %mul3A_166 = arith.muli %mul3A_152, %mul3A_165 : i32
      %add3A_167 = arith.addi %mul3A_2, %mul3A_166 : i32
      %dma_start3A_168 = arith.constant 0 : i32
      %dma_start3A_169 = tpu.memref_slice %arg6[%add3A_167, %dma_start3A_168] : memref<320000x128xf32, #tpu.memory_space<hbm>> -> memref<80x128xf32, #tpu.memory_space<hbm>>
      %dma_start3A_170 = arith.constant 0 : i32
      %dma_start3A_171 = tpu.memref_slice %arg6[%add3A_167, %dma_start3A_170] : memref<320000x128xf32, #tpu.memory_space<hbm>> -> memref<80x128xf32, #tpu.memory_space<hbm>>
      tpu.enqueue_dma source(%arg10 : memref<80x128xf32, #tpu.memory_space<vmem>>) target(%dma_start3A_171 : memref<80x128xf32, #tpu.memory_space<hbm>>) target_semaphore(%arg18 : memref<!tpu.dma_semaphore, #tpu.memory_space<semaphore_mem>>)
      %dma_start3A_172 = arith.constant 0 : i32
      %dma_start3A_173 = tpu.memref_slice %arg7[%add3A_167, %dma_start3A_172] : memref<320000x128xf32, #tpu.memory_space<hbm>> -> memref<80x128xf32, #tpu.memory_space<hbm>>
      %dma_start3A_174 = arith.constant 0 : i32
      %dma_start3A_175 = tpu.memref_slice %arg7[%add3A_167, %dma_start3A_174] : memref<320000x128xf32, #tpu.memory_space<hbm>> -> memref<80x128xf32, #tpu.memory_space<hbm>>
      tpu.enqueue_dma source(%arg12 : memref<80x128xf32, #tpu.memory_space<vmem>>) target(%dma_start3A_175 : memref<80x128xf32, #tpu.memory_space<hbm>>) target_semaphore(%arg20 : memref<!tpu.dma_semaphore, #tpu.memory_space<semaphore_mem>>)
      %mul3A_176 = arith.constant 2 : i32
      %mul3A_177 = arith.muli %mul3A_176, %scan3A_150 : i32
      %add3A_178 = arith.constant 1 : i32
      %add3A_179 = arith.addi %mul3A_177, %add3A_178 : i32
      %dma_wait3A_180 = arith.constant 0 : i32
      %dma_wait3A_181 = tpu.memref_slice %arg8[%add3A_179, %dma_wait3A_180] : memref<125x80xi32, #tpu.memory_space<vmem>> -> memref<1x80xi32, #tpu.memory_space<vmem>>
      %dma_wait3A_182 = tpu.memref_squeeze %dma_wait3A_181 : memref<1x80xi32, #tpu.memory_space<vmem>> -> memref<80xi32, #tpu.memory_space<vmem>>
      %dma_wait3A_183 = arith.constant 0 : i32
      %dma_wait3A_184 = arith.constant 0 : i32
      %dma_wait3A_185 = tpu.memref_slice %arg2[%dma_wait3A_183, %dma_wait3A_184] : memref<10000x128xf32, #tpu.memory_space<hbm>> -> memref<10000x128xf32, #tpu.memory_space<hbm>>
      tpu.wait_indirect_dma semaphore(%arg15 : memref<!tpu.dma_semaphore, #tpu.memory_space<semaphore_mem>>) src(%dma_wait3A_185 : memref<10000x128xf32, #tpu.memory_space<hbm>>) dst(%arg11 : memref<80x128xf32, #tpu.memory_space<vmem>>)
      %dma_wait3A_186 = arith.constant 0 : i32
      %dma_wait3A_187 = tpu.memref_slice %arg9[%add3A_179, %dma_wait3A_186] : memref<125x80xi32, #tpu.memory_space<vmem>> -> memref<1x80xi32, #tpu.memory_space<vmem>>
      %dma_wait3A_188 = tpu.memref_squeeze %dma_wait3A_187 : memref<1x80xi32, #tpu.memory_space<vmem>> -> memref<80xi32, #tpu.memory_space<vmem>>
      %dma_wait3A_189 = arith.constant 0 : i32
      %dma_wait3A_190 = arith.constant 0 : i32
      %dma_wait3A_191 = tpu.memref_slice %arg3[%dma_wait3A_189, %dma_wait3A_190] : memref<10000x128xf32, #tpu.memory_space<hbm>> -> memref<10000x128xf32, #tpu.memory_space<hbm>>
      tpu.wait_indirect_dma semaphore(%arg17 : memref<!tpu.dma_semaphore, #tpu.memory_space<semaphore_mem>>) src(%dma_wait3A_191 : memref<10000x128xf32, #tpu.memory_space<hbm>>) dst(%arg13 : memref<80x128xf32, #tpu.memory_space<vmem>>)
      %mul3A_192 = arith.constant 80 : i32
      %mul3A_193 = arith.muli %add3A_179, %mul3A_192 : i32
      %add3A_194 = arith.addi %mul3A_2, %mul3A_193 : i32
      %dma_start3A_195 = arith.constant 0 : i32
      %dma_start3A_196 = tpu.memref_slice %arg6[%add3A_194, %dma_start3A_195] : memref<320000x128xf32, #tpu.memory_space<hbm>> -> memref<80x128xf32, #tpu.memory_space<hbm>>
      %dma_start3A_197 = arith.constant 0 : i32
      %dma_start3A_198 = tpu.memref_slice %arg6[%add3A_194, %dma_start3A_197] : memref<320000x128xf32, #tpu.memory_space<hbm>> -> memref<80x128xf32, #tpu.memory_space<hbm>>
      tpu.enqueue_dma source(%arg11 : memref<80x128xf32, #tpu.memory_space<vmem>>) target(%dma_start3A_198 : memref<80x128xf32, #tpu.memory_space<hbm>>) target_semaphore(%arg19 : memref<!tpu.dma_semaphore, #tpu.memory_space<semaphore_mem>>)
      %dma_start3A_199 = arith.constant 0 : i32
      %dma_start3A_200 = tpu.memref_slice %arg7[%add3A_194, %dma_start3A_199] : memref<320000x128xf32, #tpu.memory_space<hbm>> -> memref<80x128xf32, #tpu.memory_space<hbm>>
      %dma_start3A_201 = arith.constant 0 : i32
      %dma_start3A_202 = tpu.memref_slice %arg7[%add3A_194, %dma_start3A_201] : memref<320000x128xf32, #tpu.memory_space<hbm>> -> memref<80x128xf32, #tpu.memory_space<hbm>>
      tpu.enqueue_dma source(%arg13 : memref<80x128xf32, #tpu.memory_space<vmem>>) target(%dma_start3A_202 : memref<80x128xf32, #tpu.memory_space<hbm>>) target_semaphore(%arg21 : memref<!tpu.dma_semaphore, #tpu.memory_space<semaphore_mem>>)
      %mul3A_203 = arith.constant 2 : i32
      %mul3A_204 = arith.muli %mul3A_203, %scan3A_150 : i32
      %mul3A_205 = arith.constant 80 : i32
      %mul3A_206 = arith.muli %mul3A_204, %mul3A_205 : i32
      %add3A_207 = arith.addi %mul3A_2, %mul3A_206 : i32
      %dma_wait3A_208 = arith.constant 0 : i32
      %dma_wait3A_209 = tpu.memref_slice %arg6[%add3A_207, %dma_wait3A_208] : memref<320000x128xf32, #tpu.memory_space<hbm>> -> memref<80x128xf32, #tpu.memory_space<hbm>>
      %dma_wait3A_210 = arith.constant 0 : i32
      %dma_wait3A_211 = tpu.memref_slice %arg6[%add3A_207, %dma_wait3A_210] : memref<320000x128xf32, #tpu.memory_space<hbm>> -> memref<80x128xf32, #tpu.memory_space<hbm>>
      tpu.wait_dma2 semaphore(%arg18 : memref<!tpu.dma_semaphore, #tpu.memory_space<semaphore_mem>>) src(%arg10 : memref<80x128xf32, #tpu.memory_space<vmem>>) dst(%dma_wait3A_211 : memref<80x128xf32, #tpu.memory_space<hbm>>)
      %dma_wait3A_212 = arith.constant 0 : i32
      %dma_wait3A_213 = tpu.memref_slice %arg7[%add3A_207, %dma_wait3A_212] : memref<320000x128xf32, #tpu.memory_space<hbm>> -> memref<80x128xf32, #tpu.memory_space<hbm>>
      %dma_wait3A_214 = arith.constant 0 : i32
      %dma_wait3A_215 = tpu.memref_slice %arg7[%add3A_207, %dma_wait3A_214] : memref<320000x128xf32, #tpu.memory_space<hbm>> -> memref<80x128xf32, #tpu.memory_space<hbm>>
      tpu.wait_dma2 semaphore(%arg20 : memref<!tpu.dma_semaphore, #tpu.memory_space<semaphore_mem>>) src(%arg12 : memref<80x128xf32, #tpu.memory_space<vmem>>) dst(%dma_wait3A_215 : memref<80x128xf32, #tpu.memory_space<hbm>>)
      %mul3A_216 = arith.constant 2 : i32
      %mul3A_217 = arith.muli %mul3A_216, %scan3A_150 : i32
      %add3A_218 = arith.constant 2 : i32
      %add3A_219 = arith.addi %mul3A_217, %add3A_218 : i32
      %dma_start3A_220 = arith.constant 0 : i32
      %dma_start3A_221 = tpu.memref_slice %arg8[%add3A_219, %dma_start3A_220] : memref<125x80xi32, #tpu.memory_space<vmem>> -> memref<1x80xi32, #tpu.memory_space<vmem>>
      %dma_start3A_222 = tpu.memref_squeeze %dma_start3A_221 : memref<1x80xi32, #tpu.memory_space<vmem>> -> memref<80xi32, #tpu.memory_space<vmem>>
      %dma_start3A_223 = arith.constant 0 : i32
      %dma_start3A_224 = arith.constant 0 : i32
      %dma_start3A_225 = tpu.memref_slice %arg2[%dma_start3A_223, %dma_start3A_224] : memref<10000x128xf32, #tpu.memory_space<hbm>> -> memref<10000x128xf32, #tpu.memory_space<hbm>>
      tpu.enqueue_indirect_dma source(%dma_start3A_225 : memref<10000x128xf32, #tpu.memory_space<hbm>>) target(%arg10 : memref<80x128xf32, #tpu.memory_space<vmem>>) offsets(%dma_start3A_222 : memref<80xi32, #tpu.memory_space<vmem>>) semaphore(%arg14 : memref<!tpu.dma_semaphore, #tpu.memory_space<semaphore_mem>>)
      %dma_start3A_226 = arith.constant 0 : i32
      %dma_start3A_227 = tpu.memref_slice %arg9[%add3A_219, %dma_start3A_226] : memref<125x80xi32, #tpu.memory_space<vmem>> -> memref<1x80xi32, #tpu.memory_space<vmem>>
      %dma_start3A_228 = tpu.memref_squeeze %dma_start3A_227 : memref<1x80xi32, #tpu.memory_space<vmem>> -> memref<80xi32, #tpu.memory_space<vmem>>
      %dma_start3A_229 = arith.constant 0 : i32
      %dma_start3A_230 = arith.constant 0 : i32
      %dma_start3A_231 = tpu.memref_slice %arg3[%dma_start3A_229, %dma_start3A_230] : memref<10000x128xf32, #tpu.memory_space<hbm>> -> memref<10000x128xf32, #tpu.memory_space<hbm>>
      tpu.enqueue_indirect_dma source(%dma_start3A_231 : memref<10000x128xf32, #tpu.memory_space<hbm>>) target(%arg12 : memref<80x128xf32, #tpu.memory_space<vmem>>) offsets(%dma_start3A_228 : memref<80xi32, #tpu.memory_space<vmem>>) semaphore(%arg16 : memref<!tpu.dma_semaphore, #tpu.memory_space<semaphore_mem>>)
      %mul3A_232 = arith.constant 2 : i32
      %mul3A_233 = arith.muli %mul3A_232, %scan3A_150 : i32
      %add3A_234 = arith.constant 1 : i32
      %add3A_235 = arith.addi %mul3A_233, %add3A_234 : i32
      %mul3A_236 = arith.constant 80 : i32
      %mul3A_237 = arith.muli %add3A_235, %mul3A_236 : i32
      %add3A_238 = arith.addi %mul3A_2, %mul3A_237 : i32
      %dma_wait3A_239 = arith.constant 0 : i32
      %dma_wait3A_240 = tpu.memref_slice %arg6[%add3A_238, %dma_wait3A_239] : memref<320000x128xf32, #tpu.memory_space<hbm>> -> memref<80x128xf32, #tpu.memory_space<hbm>>
      %dma_wait3A_241 = arith.constant 0 : i32
      %dma_wait3A_242 = tpu.memref_slice %arg6[%add3A_238, %dma_wait3A_241] : memref<320000x128xf32, #tpu.memory_space<hbm>> -> memref<80x128xf32, #tpu.memory_space<hbm>>
      tpu.wait_dma2 semaphore(%arg19 : memref<!tpu.dma_semaphore, #tpu.memory_space<semaphore_mem>>) src(%arg11 : memref<80x128xf32, #tpu.memory_space<vmem>>) dst(%dma_wait3A_242 : memref<80x128xf32, #tpu.memory_space<hbm>>)
      %dma_wait3A_243 = arith.constant 0 : i32
      %dma_wait3A_244 = tpu.memref_slice %arg7[%add3A_238, %dma_wait3A_243] : memref<320000x128xf32, #tpu.memory_space<hbm>> -> memref<80x128xf32, #tpu.memory_space<hbm>>
      %dma_wait3A_245 = arith.constant 0 : i32
      %dma_wait3A_246 = tpu.memref_slice %arg7[%add3A_238, %dma_wait3A_245] : memref<320000x128xf32, #tpu.memory_space<hbm>> -> memref<80x128xf32, #tpu.memory_space<hbm>>
      tpu.wait_dma2 semaphore(%arg21 : memref<!tpu.dma_semaphore, #tpu.memory_space<semaphore_mem>>) src(%arg13 : memref<80x128xf32, #tpu.memory_space<vmem>>) dst(%dma_wait3A_246 : memref<80x128xf32, #tpu.memory_space<hbm>>)
      %mul3A_247 = arith.constant 2 : i32
      %mul3A_248 = arith.muli %mul3A_247, %scan3A_150 : i32
      %add3A_249 = arith.constant 3 : i32
      %add3A_250 = arith.addi %mul3A_248, %add3A_249 : i32
      %dma_start3A_251 = arith.constant 0 : i32
      %dma_start3A_252 = tpu.memref_slice %arg8[%add3A_250, %dma_start3A_251] : memref<125x80xi32, #tpu.memory_space<vmem>> -> memref<1x80xi32, #tpu.memory_space<vmem>>
      %dma_start3A_253 = tpu.memref_squeeze %dma_start3A_252 : memref<1x80xi32, #tpu.memory_space<vmem>> -> memref<80xi32, #tpu.memory_space<vmem>>
      %dma_start3A_254 = arith.constant 0 : i32
      %dma_start3A_255 = arith.constant 0 : i32
      %dma_start3A_256 = tpu.memref_slice %arg2[%dma_start3A_254, %dma_start3A_255] : memref<10000x128xf32, #tpu.memory_space<hbm>> -> memref<10000x128xf32, #tpu.memory_space<hbm>>
      tpu.enqueue_indirect_dma source(%dma_start3A_256 : memref<10000x128xf32, #tpu.memory_space<hbm>>) target(%arg11 : memref<80x128xf32, #tpu.memory_space<vmem>>) offsets(%dma_start3A_253 : memref<80xi32, #tpu.memory_space<vmem>>) semaphore(%arg15 : memref<!tpu.dma_semaphore, #tpu.memory_space<semaphore_mem>>)
      %dma_start3A_257 = arith.constant 0 : i32
      %dma_start3A_258 = tpu.memref_slice %arg9[%add3A_250, %dma_start3A_257] : memref<125x80xi32, #tpu.memory_space<vmem>> -> memref<1x80xi32, #tpu.memory_space<vmem>>
      %dma_start3A_259 = tpu.memref_squeeze %dma_start3A_258 : memref<1x80xi32, #tpu.memory_space<vmem>> -> memref<80xi32, #tpu.memory_space<vmem>>
      %dma_start3A_260 = arith.constant 0 : i32
      %dma_start3A_261 = arith.constant 0 : i32
      %dma_start3A_262 = tpu.memref_slice %arg3[%dma_start3A_260, %dma_start3A_261] : memref<10000x128xf32, #tpu.memory_space<hbm>> -> memref<10000x128xf32, #tpu.memory_space<hbm>>
      tpu.enqueue_indirect_dma source(%dma_start3A_262 : memref<10000x128xf32, #tpu.memory_space<hbm>>) target(%arg13 : memref<80x128xf32, #tpu.memory_space<vmem>>) offsets(%dma_start3A_259 : memref<80xi32, #tpu.memory_space<vmem>>) semaphore(%arg17 : memref<!tpu.dma_semaphore, #tpu.memory_space<semaphore_mem>>)
    }
    %scan3A_34 = arith.constant 61 : i32
    %dma_wait3A = arith.constant 122 : i32
    %dma_wait3A_35 = arith.constant 0 : i32
    %dma_wait3A_36 = tpu.memref_slice %arg8[%dma_wait3A, %dma_wait3A_35] : memref<125x80xi32, #tpu.memory_space<vmem>> -> memref<1x80xi32, #tpu.memory_space<vmem>>
    %dma_wait3A_37 = tpu.memref_squeeze %dma_wait3A_36 : memref<1x80xi32, #tpu.memory_space<vmem>> -> memref<80xi32, #tpu.memory_space<vmem>>
    %dma_wait3A_38 = arith.constant 0 : i32
    %dma_wait3A_39 = arith.constant 0 : i32
    %dma_wait3A_40 = tpu.memref_slice %arg2[%dma_wait3A_38, %dma_wait3A_39] : memref<10000x128xf32, #tpu.memory_space<hbm>> -> memref<10000x128xf32, #tpu.memory_space<hbm>>
    tpu.wait_indirect_dma semaphore(%arg14 : memref<!tpu.dma_semaphore, #tpu.memory_space<semaphore_mem>>) src(%dma_wait3A_40 : memref<10000x128xf32, #tpu.memory_space<hbm>>) dst(%arg10 : memref<80x128xf32, #tpu.memory_space<vmem>>)
    %dma_wait3A_41 = arith.constant 122 : i32
    %dma_wait3A_42 = arith.constant 0 : i32
    %dma_wait3A_43 = tpu.memref_slice %arg9[%dma_wait3A_41, %dma_wait3A_42] : memref<125x80xi32, #tpu.memory_space<vmem>> -> memref<1x80xi32, #tpu.memory_space<vmem>>
    %dma_wait3A_44 = tpu.memref_squeeze %dma_wait3A_43 : memref<1x80xi32, #tpu.memory_space<vmem>> -> memref<80xi32, #tpu.memory_space<vmem>>
    %dma_wait3A_45 = arith.constant 0 : i32
    %dma_wait3A_46 = arith.constant 0 : i32
    %dma_wait3A_47 = tpu.memref_slice %arg3[%dma_wait3A_45, %dma_wait3A_46] : memref<10000x128xf32, #tpu.memory_space<hbm>> -> memref<10000x128xf32, #tpu.memory_space<hbm>>
    tpu.wait_indirect_dma semaphore(%arg16 : memref<!tpu.dma_semaphore, #tpu.memory_space<semaphore_mem>>) src(%dma_wait3A_47 : memref<10000x128xf32, #tpu.memory_space<hbm>>) dst(%arg12 : memref<80x128xf32, #tpu.memory_space<vmem>>)
    %add3A_48 = arith.constant 9760 : i32
    %add3A_49 = arith.addi %mul3A_2, %add3A_48 : i32
    %dma_start3A_50 = arith.constant 0 : i32
    %dma_start3A_51 = tpu.memref_slice %arg6[%add3A_49, %dma_start3A_50] : memref<320000x128xf32, #tpu.memory_space<hbm>> -> memref<80x128xf32, #tpu.memory_space<hbm>>
    %dma_start3A_52 = arith.constant 0 : i32
    %dma_start3A_53 = tpu.memref_slice %arg6[%add3A_49, %dma_start3A_52] : memref<320000x128xf32, #tpu.memory_space<hbm>> -> memref<80x128xf32, #tpu.memory_space<hbm>>
    tpu.enqueue_dma source(%arg10 : memref<80x128xf32, #tpu.memory_space<vmem>>) target(%dma_start3A_53 : memref<80x128xf32, #tpu.memory_space<hbm>>) target_semaphore(%arg18 : memref<!tpu.dma_semaphore, #tpu.memory_space<semaphore_mem>>)
    %dma_start3A_54 = arith.constant 0 : i32
    %dma_start3A_55 = tpu.memref_slice %arg7[%add3A_49, %dma_start3A_54] : memref<320000x128xf32, #tpu.memory_space<hbm>> -> memref<80x128xf32, #tpu.memory_space<hbm>>
    %dma_start3A_56 = arith.constant 0 : i32
    %dma_start3A_57 = tpu.memref_slice %arg7[%add3A_49, %dma_start3A_56] : memref<320000x128xf32, #tpu.memory_space<hbm>> -> memref<80x128xf32, #tpu.memory_space<hbm>>
    tpu.enqueue_dma source(%arg12 : memref<80x128xf32, #tpu.memory_space<vmem>>) target(%dma_start3A_57 : memref<80x128xf32, #tpu.memory_space<hbm>>) target_semaphore(%arg20 : memref<!tpu.dma_semaphore, #tpu.memory_space<semaphore_mem>>)
    %dma_wait3A_58 = arith.constant 123 : i32
    %dma_wait3A_59 = arith.constant 0 : i32
    %dma_wait3A_60 = tpu.memref_slice %arg8[%dma_wait3A_58, %dma_wait3A_59] : memref<125x80xi32, #tpu.memory_space<vmem>> -> memref<1x80xi32, #tpu.memory_space<vmem>>
    %dma_wait3A_61 = tpu.memref_squeeze %dma_wait3A_60 : memref<1x80xi32, #tpu.memory_space<vmem>> -> memref<80xi32, #tpu.memory_space<vmem>>
    %dma_wait3A_62 = arith.constant 0 : i32
    %dma_wait3A_63 = arith.constant 0 : i32
    %dma_wait3A_64 = tpu.memref_slice %arg2[%dma_wait3A_62, %dma_wait3A_63] : memref<10000x128xf32, #tpu.memory_space<hbm>> -> memref<10000x128xf32, #tpu.memory_space<hbm>>
    tpu.wait_indirect_dma semaphore(%arg15 : memref<!tpu.dma_semaphore, #tpu.memory_space<semaphore_mem>>) src(%dma_wait3A_64 : memref<10000x128xf32, #tpu.memory_space<hbm>>) dst(%arg11 : memref<80x128xf32, #tpu.memory_space<vmem>>)
    %dma_wait3A_65 = arith.constant 123 : i32
    %dma_wait3A_66 = arith.constant 0 : i32
    %dma_wait3A_67 = tpu.memref_slice %arg9[%dma_wait3A_65, %dma_wait3A_66] : memref<125x80xi32, #tpu.memory_space<vmem>> -> memref<1x80xi32, #tpu.memory_space<vmem>>
    %dma_wait3A_68 = tpu.memref_squeeze %dma_wait3A_67 : memref<1x80xi32, #tpu.memory_space<vmem>> -> memref<80xi32, #tpu.memory_space<vmem>>
    %dma_wait3A_69 = arith.constant 0 : i32
    %dma_wait3A_70 = arith.constant 0 : i32
    %dma_wait3A_71 = tpu.memref_slice %arg3[%dma_wait3A_69, %dma_wait3A_70] : memref<10000x128xf32, #tpu.memory_space<hbm>> -> memref<10000x128xf32, #tpu.memory_space<hbm>>
    tpu.wait_indirect_dma semaphore(%arg17 : memref<!tpu.dma_semaphore, #tpu.memory_space<semaphore_mem>>) src(%dma_wait3A_71 : memref<10000x128xf32, #tpu.memory_space<hbm>>) dst(%arg13 : memref<80x128xf32, #tpu.memory_space<vmem>>)
    %add3A_72 = arith.constant 9840 : i32
    %add3A_73 = arith.addi %mul3A_2, %add3A_72 : i32
    %dma_start3A_74 = arith.constant 0 : i32
    %dma_start3A_75 = tpu.memref_slice %arg6[%add3A_73, %dma_start3A_74] : memref<320000x128xf32, #tpu.memory_space<hbm>> -> memref<80x128xf32, #tpu.memory_space<hbm>>
    %dma_start3A_76 = arith.constant 0 : i32
    %dma_start3A_77 = tpu.memref_slice %arg6[%add3A_73, %dma_start3A_76] : memref<320000x128xf32, #tpu.memory_space<hbm>> -> memref<80x128xf32, #tpu.memory_space<hbm>>
    tpu.enqueue_dma source(%arg11 : memref<80x128xf32, #tpu.memory_space<vmem>>) target(%dma_start3A_77 : memref<80x128xf32, #tpu.memory_space<hbm>>) target_semaphore(%arg19 : memref<!tpu.dma_semaphore, #tpu.memory_space<semaphore_mem>>)
    %dma_start3A_78 = arith.constant 0 : i32
    %dma_start3A_79 = tpu.memref_slice %arg7[%add3A_73, %dma_start3A_78] : memref<320000x128xf32, #tpu.memory_space<hbm>> -> memref<80x128xf32, #tpu.memory_space<hbm>>
    %dma_start3A_80 = arith.constant 0 : i32
    %dma_start3A_81 = tpu.memref_slice %arg7[%add3A_73, %dma_start3A_80] : memref<320000x128xf32, #tpu.memory_space<hbm>> -> memref<80x128xf32, #tpu.memory_space<hbm>>
    tpu.enqueue_dma source(%arg13 : memref<80x128xf32, #tpu.memory_space<vmem>>) target(%dma_start3A_81 : memref<80x128xf32, #tpu.memory_space<hbm>>) target_semaphore(%arg21 : memref<!tpu.dma_semaphore, #tpu.memory_space<semaphore_mem>>)
    %add3A_82 = arith.constant 9760 : i32
    %add3A_83 = arith.addi %mul3A_2, %add3A_82 : i32
    %dma_wait3A_84 = arith.constant 0 : i32
    %dma_wait3A_85 = tpu.memref_slice %arg6[%add3A_83, %dma_wait3A_84] : memref<320000x128xf32, #tpu.memory_space<hbm>> -> memref<80x128xf32, #tpu.memory_space<hbm>>
    %dma_wait3A_86 = arith.constant 0 : i32
    %dma_wait3A_87 = tpu.memref_slice %arg6[%add3A_83, %dma_wait3A_86] : memref<320000x128xf32, #tpu.memory_space<hbm>> -> memref<80x128xf32, #tpu.memory_space<hbm>>
    tpu.wait_dma2 semaphore(%arg18 : memref<!tpu.dma_semaphore, #tpu.memory_space<semaphore_mem>>) src(%arg10 : memref<80x128xf32, #tpu.memory_space<vmem>>) dst(%dma_wait3A_87 : memref<80x128xf32, #tpu.memory_space<hbm>>)
    %dma_wait3A_88 = arith.constant 0 : i32
    %dma_wait3A_89 = tpu.memref_slice %arg7[%add3A_83, %dma_wait3A_88] : memref<320000x128xf32, #tpu.memory_space<hbm>> -> memref<80x128xf32, #tpu.memory_space<hbm>>
    %dma_wait3A_90 = arith.constant 0 : i32
    %dma_wait3A_91 = tpu.memref_slice %arg7[%add3A_83, %dma_wait3A_90] : memref<320000x128xf32, #tpu.memory_space<hbm>> -> memref<80x128xf32, #tpu.memory_space<hbm>>
    tpu.wait_dma2 semaphore(%arg20 : memref<!tpu.dma_semaphore, #tpu.memory_space<semaphore_mem>>) src(%arg12 : memref<80x128xf32, #tpu.memory_space<vmem>>) dst(%dma_wait3A_91 : memref<80x128xf32, #tpu.memory_space<hbm>>)
    %dma_start3A_92 = arith.constant 124 : i32
    %dma_start3A_93 = arith.constant 0 : i32
    %dma_start3A_94 = tpu.memref_slice %arg8[%dma_start3A_92, %dma_start3A_93] : memref<125x80xi32, #tpu.memory_space<vmem>> -> memref<1x80xi32, #tpu.memory_space<vmem>>
    %dma_start3A_95 = tpu.memref_squeeze %dma_start3A_94 : memref<1x80xi32, #tpu.memory_space<vmem>> -> memref<80xi32, #tpu.memory_space<vmem>>
    %dma_start3A_96 = arith.constant 0 : i32
    %dma_start3A_97 = arith.constant 0 : i32
    %dma_start3A_98 = tpu.memref_slice %arg2[%dma_start3A_96, %dma_start3A_97] : memref<10000x128xf32, #tpu.memory_space<hbm>> -> memref<10000x128xf32, #tpu.memory_space<hbm>>
    tpu.enqueue_indirect_dma source(%dma_start3A_98 : memref<10000x128xf32, #tpu.memory_space<hbm>>) target(%arg10 : memref<80x128xf32, #tpu.memory_space<vmem>>) offsets(%dma_start3A_95 : memref<80xi32, #tpu.memory_space<vmem>>) semaphore(%arg14 : memref<!tpu.dma_semaphore, #tpu.memory_space<semaphore_mem>>)
    %dma_start3A_99 = arith.constant 124 : i32
    %dma_start3A_100 = arith.constant 0 : i32
    %dma_start3A_101 = tpu.memref_slice %arg9[%dma_start3A_99, %dma_start3A_100] : memref<125x80xi32, #tpu.memory_space<vmem>> -> memref<1x80xi32, #tpu.memory_space<vmem>>
    %dma_start3A_102 = tpu.memref_squeeze %dma_start3A_101 : memref<1x80xi32, #tpu.memory_space<vmem>> -> memref<80xi32, #tpu.memory_space<vmem>>
    %dma_start3A_103 = arith.constant 0 : i32
    %dma_start3A_104 = arith.constant 0 : i32
    %dma_start3A_105 = tpu.memref_slice %arg3[%dma_start3A_103, %dma_start3A_104] : memref<10000x128xf32, #tpu.memory_space<hbm>> -> memref<10000x128xf32, #tpu.memory_space<hbm>>
    tpu.enqueue_indirect_dma source(%dma_start3A_105 : memref<10000x128xf32, #tpu.memory_space<hbm>>) target(%arg12 : memref<80x128xf32, #tpu.memory_space<vmem>>) offsets(%dma_start3A_102 : memref<80xi32, #tpu.memory_space<vmem>>) semaphore(%arg16 : memref<!tpu.dma_semaphore, #tpu.memory_space<semaphore_mem>>)
    %dma_wait3A_106 = arith.constant 124 : i32
    %dma_wait3A_107 = arith.constant 0 : i32
    %dma_wait3A_108 = tpu.memref_slice %arg8[%dma_wait3A_106, %dma_wait3A_107] : memref<125x80xi32, #tpu.memory_space<vmem>> -> memref<1x80xi32, #tpu.memory_space<vmem>>
    %dma_wait3A_109 = tpu.memref_squeeze %dma_wait3A_108 : memref<1x80xi32, #tpu.memory_space<vmem>> -> memref<80xi32, #tpu.memory_space<vmem>>
    %dma_wait3A_110 = arith.constant 0 : i32
    %dma_wait3A_111 = arith.constant 0 : i32
    %dma_wait3A_112 = tpu.memref_slice %arg2[%dma_wait3A_110, %dma_wait3A_111] : memref<10000x128xf32, #tpu.memory_space<hbm>> -> memref<10000x128xf32, #tpu.memory_space<hbm>>
    tpu.wait_indirect_dma semaphore(%arg14 : memref<!tpu.dma_semaphore, #tpu.memory_space<semaphore_mem>>) src(%dma_wait3A_112 : memref<10000x128xf32, #tpu.memory_space<hbm>>) dst(%arg10 : memref<80x128xf32, #tpu.memory_space<vmem>>)
    %dma_wait3A_113 = arith.constant 124 : i32
    %dma_wait3A_114 = arith.constant 0 : i32
    %dma_wait3A_115 = tpu.memref_slice %arg9[%dma_wait3A_113, %dma_wait3A_114] : memref<125x80xi32, #tpu.memory_space<vmem>> -> memref<1x80xi32, #tpu.memory_space<vmem>>
    %dma_wait3A_116 = tpu.memref_squeeze %dma_wait3A_115 : memref<1x80xi32, #tpu.memory_space<vmem>> -> memref<80xi32, #tpu.memory_space<vmem>>
    %dma_wait3A_117 = arith.constant 0 : i32
    %dma_wait3A_118 = arith.constant 0 : i32
    %dma_wait3A_119 = tpu.memref_slice %arg3[%dma_wait3A_117, %dma_wait3A_118] : memref<10000x128xf32, #tpu.memory_space<hbm>> -> memref<10000x128xf32, #tpu.memory_space<hbm>>
    tpu.wait_indirect_dma semaphore(%arg16 : memref<!tpu.dma_semaphore, #tpu.memory_space<semaphore_mem>>) src(%dma_wait3A_119 : memref<10000x128xf32, #tpu.memory_space<hbm>>) dst(%arg12 : memref<80x128xf32, #tpu.memory_space<vmem>>)
    %add3A_120 = arith.constant 9920 : i32
    %add3A_121 = arith.addi %mul3A_2, %add3A_120 : i32
    %dma_start3A_122 = arith.constant 0 : i32
    %dma_start3A_123 = tpu.memref_slice %arg6[%add3A_121, %dma_start3A_122] : memref<320000x128xf32, #tpu.memory_space<hbm>> -> memref<80x128xf32, #tpu.memory_space<hbm>>
    %dma_start3A_124 = arith.constant 0 : i32
    %dma_start3A_125 = tpu.memref_slice %arg6[%add3A_121, %dma_start3A_124] : memref<320000x128xf32, #tpu.memory_space<hbm>> -> memref<80x128xf32, #tpu.memory_space<hbm>>
    tpu.enqueue_dma source(%arg10 : memref<80x128xf32, #tpu.memory_space<vmem>>) target(%dma_start3A_125 : memref<80x128xf32, #tpu.memory_space<hbm>>) target_semaphore(%arg18 : memref<!tpu.dma_semaphore, #tpu.memory_space<semaphore_mem>>)
    %dma_start3A_126 = arith.constant 0 : i32
    %dma_start3A_127 = tpu.memref_slice %arg7[%add3A_121, %dma_start3A_126] : memref<320000x128xf32, #tpu.memory_space<hbm>> -> memref<80x128xf32, #tpu.memory_space<hbm>>
    %dma_start3A_128 = arith.constant 0 : i32
    %dma_start3A_129 = tpu.memref_slice %arg7[%add3A_121, %dma_start3A_128] : memref<320000x128xf32, #tpu.memory_space<hbm>> -> memref<80x128xf32, #tpu.memory_space<hbm>>
    tpu.enqueue_dma source(%arg12 : memref<80x128xf32, #tpu.memory_space<vmem>>) target(%dma_start3A_129 : memref<80x128xf32, #tpu.memory_space<hbm>>) target_semaphore(%arg20 : memref<!tpu.dma_semaphore, #tpu.memory_space<semaphore_mem>>)
    %add3A_130 = arith.constant 9840 : i32
    %add3A_131 = arith.addi %mul3A_2, %add3A_130 : i32
    %dma_wait3A_132 = arith.constant 0 : i32
    %dma_wait3A_133 = tpu.memref_slice %arg6[%add3A_131, %dma_wait3A_132] : memref<320000x128xf32, #tpu.memory_space<hbm>> -> memref<80x128xf32, #tpu.memory_space<hbm>>
    %dma_wait3A_134 = arith.constant 0 : i32
    %dma_wait3A_135 = tpu.memref_slice %arg6[%add3A_131, %dma_wait3A_134] : memref<320000x128xf32, #tpu.memory_space<hbm>> -> memref<80x128xf32, #tpu.memory_space<hbm>>
    tpu.wait_dma2 semaphore(%arg19 : memref<!tpu.dma_semaphore, #tpu.memory_space<semaphore_mem>>) src(%arg11 : memref<80x128xf32, #tpu.memory_space<vmem>>) dst(%dma_wait3A_135 : memref<80x128xf32, #tpu.memory_space<hbm>>)
    %dma_wait3A_136 = arith.constant 0 : i32
    %dma_wait3A_137 = tpu.memref_slice %arg7[%add3A_131, %dma_wait3A_136] : memref<320000x128xf32, #tpu.memory_space<hbm>> -> memref<80x128xf32, #tpu.memory_space<hbm>>
    %dma_wait3A_138 = arith.constant 0 : i32
    %dma_wait3A_139 = tpu.memref_slice %arg7[%add3A_131, %dma_wait3A_138] : memref<320000x128xf32, #tpu.memory_space<hbm>> -> memref<80x128xf32, #tpu.memory_space<hbm>>
    tpu.wait_dma2 semaphore(%arg21 : memref<!tpu.dma_semaphore, #tpu.memory_space<semaphore_mem>>) src(%arg13 : memref<80x128xf32, #tpu.memory_space<vmem>>) dst(%dma_wait3A_139 : memref<80x128xf32, #tpu.memory_space<hbm>>)
    %add3A_140 = arith.constant 9920 : i32
    %add3A_141 = arith.addi %mul3A_2, %add3A_140 : i32
    %dma_wait3A_142 = arith.constant 0 : i32
    %dma_wait3A_143 = tpu.memref_slice %arg6[%add3A_141, %dma_wait3A_142] : memref<320000x128xf32, #tpu.memory_space<hbm>> -> memref<80x128xf32, #tpu.memory_space<hbm>>
    %dma_wait3A_144 = arith.constant 0 : i32
    %dma_wait3A_145 = tpu.memref_slice %arg6[%add3A_141, %dma_wait3A_144] : memref<320000x128xf32, #tpu.memory_space<hbm>> -> memref<80x128xf32, #tpu.memory_space<hbm>>
    tpu.wait_dma2 semaphore(%arg18 : memref<!tpu.dma_semaphore, #tpu.memory_space<semaphore_mem>>) src(%arg10 : memref<80x128xf32, #tpu.memory_space<vmem>>) dst(%dma_wait3A_145 : memref<80x128xf32, #tpu.memory_space<hbm>>)
    %dma_wait3A_146 = arith.constant 0 : i32
    %dma_wait3A_147 = tpu.memref_slice %arg7[%add3A_141, %dma_wait3A_146] : memref<320000x128xf32, #tpu.memory_space<hbm>> -> memref<80x128xf32, #tpu.memory_space<hbm>>
    %dma_wait3A_148 = arith.constant 0 : i32
    %dma_wait3A_149 = tpu.memref_slice %arg7[%add3A_141, %dma_wait3A_148] : memref<320000x128xf32, #tpu.memory_space<hbm>> -> memref<80x128xf32, #tpu.memory_space<hbm>>
    tpu.wait_dma2 semaphore(%arg20 : memref<!tpu.dma_semaphore, #tpu.memory_space<semaphore_mem>>) src(%arg12 : memref<80x128xf32, #tpu.memory_space<vmem>>) dst(%dma_wait3A_149 : memref<80x128xf32, #tpu.memory_space<hbm>>)
    return
  }
}

#map = affine_map<(d0, d1) -> (0, 0)>
#map1 = affine_map<(d0, d1) -> (0, 0, 0)>
module attributes {stable_mosaic.version = 14 : i64} {
  func.func @_scatter_body(%arg0: i32, %arg1: i32, %arg2: memref<320000x128xf32, #tpu.memory_space<hbm>>, %arg3: memref<32x125x80xi32, #tpu.memory_space<hbm>>, %arg4: memref<2x10000x128xf32, #tpu.memory_space<hbm>>, %arg5: memref<125x80xi32, #tpu.memory_space<vmem>>, %arg6: memref<80x128xf32, #tpu.memory_space<vmem>>, %arg7: memref<80x128xf32, #tpu.memory_space<vmem>>, %arg8: memref<104x128xf32, #tpu.memory_space<vmem>>, %arg9: memref<10000x128xf32, #tpu.memory_space<vmem_shared>>, %arg10: memref<!tpu.dma_semaphore, #tpu.memory_space<semaphore_mem>>, %arg11: memref<!tpu.dma_semaphore, #tpu.memory_space<semaphore_mem>>) attributes {dimension_semantics = [#tpu.dimension_semantics<core_parallel>, #tpu.dimension_semantics<subcore_parallel>], iteration_bounds = array<i64: 2, 16>, scalar_prefetch = 0 : i64, scratch_operands = 7 : i64, tpu.core_type = #tpu.core_type<sc_vector_subcore>, window_params = [{transform_indices = #map}, {transform_indices = #map1}, {transform_indices = #map1}]} {
    %scan3A = arith.constant 0 : i32
    %scan3A_0 = arith.constant 0 : i32
    %scan3A_1 = arith.constant 104 : i32
    %scan3A_2 = arith.addi %scan3A_0, %scan3A_1 : i32
    %scan3A_3 = arith.constant 1 : i32
    scf.for %scan3A_84 = %scan3A_0 to %scan3A_2 step %scan3A_3  : i32 {
      %broadcast_in_dim3A = arith.constant 0.000000e+00 : f32
      %broadcast_in_dim3A_85 = vector.broadcast %broadcast_in_dim3A : f32 to vector<16xf32>
      %swap3A = arith.index_cast %scan3A_84 : i32 to index
      %swap3A_86 = arith.constant 0 : index
      %swap3A_87 = tpu.vector_load %arg8[%swap3A, %swap3A_86] {strides = array<i32>} : memref<104x128xf32, #tpu.memory_space<vmem>>, vector<1x16xf32>,
      %swap3A_88 = vector.shape_cast %swap3A_87 : vector<1x16xf32> to vector<16xf32>
      %swap3A_89 = vector.shape_cast %broadcast_in_dim3A_85 : vector<16xf32> to vector<1x16xf32>
      tpu.vector_store %arg8[%swap3A, %swap3A_86], %swap3A_89 {strides = array<i32>} : memref<104x128xf32, #tpu.memory_space<vmem>>, vector<1x16xf32>,
      %broadcast_in_dim3A_90 = arith.constant 0.000000e+00 : f32
      %broadcast_in_dim3A_91 = vector.broadcast %broadcast_in_dim3A_90 : f32 to vector<16xf32>
      %swap3A_92 = arith.index_cast %scan3A_84 : i32 to index
      %swap3A_93 = arith.constant 16 : index
      %swap3A_94 = tpu.vector_load %arg8[%swap3A_92, %swap3A_93] {strides = array<i32>} : memref<104x128xf32, #tpu.memory_space<vmem>>, vector<1x16xf32>,
      %swap3A_95 = vector.shape_cast %swap3A_94 : vector<1x16xf32> to vector<16xf32>
      %swap3A_96 = vector.shape_cast %broadcast_in_dim3A_91 : vector<16xf32> to vector<1x16xf32>
      tpu.vector_store %arg8[%swap3A_92, %swap3A_93], %swap3A_96 {strides = array<i32>} : memref<104x128xf32, #tpu.memory_space<vmem>>, vector<1x16xf32>,
      %broadcast_in_dim3A_97 = arith.constant 0.000000e+00 : f32
      %broadcast_in_dim3A_98 = vector.broadcast %broadcast_in_dim3A_97 : f32 to vector<16xf32>
      %swap3A_99 = arith.index_cast %scan3A_84 : i32 to index
      %swap3A_100 = arith.constant 32 : index
      %swap3A_101 = tpu.vector_load %arg8[%swap3A_99, %swap3A_100] {strides = array<i32>} : memref<104x128xf32, #tpu.memory_space<vmem>>, vector<1x16xf32>,
      %swap3A_102 = vector.shape_cast %swap3A_101 : vector<1x16xf32> to vector<16xf32>
      %swap3A_103 = vector.shape_cast %broadcast_in_dim3A_98 : vector<16xf32> to vector<1x16xf32>
      tpu.vector_store %arg8[%swap3A_99, %swap3A_100], %swap3A_103 {strides = array<i32>} : memref<104x128xf32, #tpu.memory_space<vmem>>, vector<1x16xf32>,
      %broadcast_in_dim3A_104 = arith.constant 0.000000e+00 : f32
      %broadcast_in_dim3A_105 = vector.broadcast %broadcast_in_dim3A_104 : f32 to vector<16xf32>
      %swap3A_106 = arith.index_cast %scan3A_84 : i32 to index
      %swap3A_107 = arith.constant 48 : index
      %swap3A_108 = tpu.vector_load %arg8[%swap3A_106, %swap3A_107] {strides = array<i32>} : memref<104x128xf32, #tpu.memory_space<vmem>>, vector<1x16xf32>,
      %swap3A_109 = vector.shape_cast %swap3A_108 : vector<1x16xf32> to vector<16xf32>
      %swap3A_110 = vector.shape_cast %broadcast_in_dim3A_105 : vector<16xf32> to vector<1x16xf32>
      tpu.vector_store %arg8[%swap3A_106, %swap3A_107], %swap3A_110 {strides = array<i32>} : memref<104x128xf32, #tpu.memory_space<vmem>>, vector<1x16xf32>,
      %broadcast_in_dim3A_111 = arith.constant 0.000000e+00 : f32
      %broadcast_in_dim3A_112 = vector.broadcast %broadcast_in_dim3A_111 : f32 to vector<16xf32>
      %swap3A_113 = arith.index_cast %scan3A_84 : i32 to index
      %swap3A_114 = arith.constant 64 : index
      %swap3A_115 = tpu.vector_load %arg8[%swap3A_113, %swap3A_114] {strides = array<i32>} : memref<104x128xf32, #tpu.memory_space<vmem>>, vector<1x16xf32>,
      %swap3A_116 = vector.shape_cast %swap3A_115 : vector<1x16xf32> to vector<16xf32>
      %swap3A_117 = vector.shape_cast %broadcast_in_dim3A_112 : vector<16xf32> to vector<1x16xf32>
      tpu.vector_store %arg8[%swap3A_113, %swap3A_114], %swap3A_117 {strides = array<i32>} : memref<104x128xf32, #tpu.memory_space<vmem>>, vector<1x16xf32>,
      %broadcast_in_dim3A_118 = arith.constant 0.000000e+00 : f32
      %broadcast_in_dim3A_119 = vector.broadcast %broadcast_in_dim3A_118 : f32 to vector<16xf32>
      %swap3A_120 = arith.index_cast %scan3A_84 : i32 to index
      %swap3A_121 = arith.constant 80 : index
      %swap3A_122 = tpu.vector_load %arg8[%swap3A_120, %swap3A_121] {strides = array<i32>} : memref<104x128xf32, #tpu.memory_space<vmem>>, vector<1x16xf32>,
      %swap3A_123 = vector.shape_cast %swap3A_122 : vector<1x16xf32> to vector<16xf32>
      %swap3A_124 = vector.shape_cast %broadcast_in_dim3A_119 : vector<16xf32> to vector<1x16xf32>
      tpu.vector_store %arg8[%swap3A_120, %swap3A_121], %swap3A_124 {strides = array<i32>} : memref<104x128xf32, #tpu.memory_space<vmem>>, vector<1x16xf32>,
      %broadcast_in_dim3A_125 = arith.constant 0.000000e+00 : f32
      %broadcast_in_dim3A_126 = vector.broadcast %broadcast_in_dim3A_125 : f32 to vector<16xf32>
      %swap3A_127 = arith.index_cast %scan3A_84 : i32 to index
      %swap3A_128 = arith.constant 96 : index
      %swap3A_129 = tpu.vector_load %arg8[%swap3A_127, %swap3A_128] {strides = array<i32>} : memref<104x128xf32, #tpu.memory_space<vmem>>, vector<1x16xf32>,
      %swap3A_130 = vector.shape_cast %swap3A_129 : vector<1x16xf32> to vector<16xf32>
      %swap3A_131 = vector.shape_cast %broadcast_in_dim3A_126 : vector<16xf32> to vector<1x16xf32>
      tpu.vector_store %arg8[%swap3A_127, %swap3A_128], %swap3A_131 {strides = array<i32>} : memref<104x128xf32, #tpu.memory_space<vmem>>, vector<1x16xf32>,
      %broadcast_in_dim3A_132 = arith.constant 0.000000e+00 : f32
      %broadcast_in_dim3A_133 = vector.broadcast %broadcast_in_dim3A_132 : f32 to vector<16xf32>
      %swap3A_134 = arith.index_cast %scan3A_84 : i32 to index
      %swap3A_135 = arith.constant 112 : index
      %swap3A_136 = tpu.vector_load %arg8[%swap3A_134, %swap3A_135] {strides = array<i32>} : memref<104x128xf32, #tpu.memory_space<vmem>>, vector<1x16xf32>,
      %swap3A_137 = vector.shape_cast %swap3A_136 : vector<1x16xf32> to vector<16xf32>
      %swap3A_138 = vector.shape_cast %broadcast_in_dim3A_133 : vector<16xf32> to vector<1x16xf32>
      tpu.vector_store %arg8[%swap3A_134, %swap3A_135], %swap3A_138 {strides = array<i32>} : memref<104x128xf32, #tpu.memory_space<vmem>>, vector<1x16xf32>,
    }
    %scan3A_4 = arith.constant 104 : i32
    %mul3A = arith.constant 624 : i32
    %mul3A_5 = arith.muli %arg1, %mul3A : i32
    %add3A = arith.constant 0 : i32
    %add3A_6 = arith.addi %mul3A_5, %add3A : i32
    "tpu.region"() ({
      %run_scoped3A_84 = tpu.sem_alloc : memref<!tpu.dma_semaphore, #tpu.memory_space<semaphore_mem>>
      %dma_start3A_85 = arith.constant 0 : i32
      %dma_start3A_86 = tpu.memref_slice %arg9[%add3A_6, %dma_start3A_85] : memref<10000x128xf32, #tpu.memory_space<vmem_shared>> -> memref<104x128xf32, #tpu.memory_space<vmem_shared>>
      %dma_start3A_87 = arith.constant 0 : i32
      %dma_start3A_88 = tpu.memref_slice %arg9[%add3A_6, %dma_start3A_87] : memref<10000x128xf32, #tpu.memory_space<vmem_shared>> -> memref<104x128xf32, #tpu.memory_space<vmem_shared>>
      tpu.enqueue_dma source(%arg8 : memref<104x128xf32, #tpu.memory_space<vmem>>) target(%dma_start3A_88 : memref<104x128xf32, #tpu.memory_space<vmem_shared>>) target_semaphore(%run_scoped3A_84 : memref<!tpu.dma_semaphore, #tpu.memory_space<semaphore_mem>>)
      %dma_wait3A_89 = arith.constant 0 : i32
      %dma_wait3A_90 = tpu.memref_slice %arg9[%add3A_6, %dma_wait3A_89] : memref<10000x128xf32, #tpu.memory_space<vmem_shared>> -> memref<104x128xf32, #tpu.memory_space<vmem_shared>>
      %dma_wait3A_91 = arith.constant 0 : i32
      %dma_wait3A_92 = tpu.memref_slice %arg9[%add3A_6, %dma_wait3A_91] : memref<10000x128xf32, #tpu.memory_space<vmem_shared>> -> memref<104x128xf32, #tpu.memory_space<vmem_shared>>
      tpu.wait_dma2 semaphore(%run_scoped3A_84 : memref<!tpu.dma_semaphore, #tpu.memory_space<semaphore_mem>>) src(%arg8 : memref<104x128xf32, #tpu.memory_space<vmem>>) dst(%dma_wait3A_92 : memref<104x128xf32, #tpu.memory_space<vmem_shared>>)
      tpu.yield
    }) : () -> ()
    %mul3A_7 = arith.constant 624 : i32
    %mul3A_8 = arith.muli %arg1, %mul3A_7 : i32
    %add3A_9 = arith.constant 104 : i32
    %add3A_10 = arith.addi %mul3A_8, %add3A_9 : i32
    "tpu.region"() ({
      %run_scoped3A_84 = tpu.sem_alloc : memref<!tpu.dma_semaphore, #tpu.memory_space<semaphore_mem>>
      %dma_start3A_85 = arith.constant 0 : i32
      %dma_start3A_86 = tpu.memref_slice %arg9[%add3A_10, %dma_start3A_85] : memref<10000x128xf32, #tpu.memory_space<vmem_shared>> -> memref<104x128xf32, #tpu.memory_space<vmem_shared>>
      %dma_start3A_87 = arith.constant 0 : i32
      %dma_start3A_88 = tpu.memref_slice %arg9[%add3A_10, %dma_start3A_87] : memref<10000x128xf32, #tpu.memory_space<vmem_shared>> -> memref<104x128xf32, #tpu.memory_space<vmem_shared>>
      tpu.enqueue_dma source(%arg8 : memref<104x128xf32, #tpu.memory_space<vmem>>) target(%dma_start3A_88 : memref<104x128xf32, #tpu.memory_space<vmem_shared>>) target_semaphore(%run_scoped3A_84 : memref<!tpu.dma_semaphore, #tpu.memory_space<semaphore_mem>>)
      %dma_wait3A_89 = arith.constant 0 : i32
      %dma_wait3A_90 = tpu.memref_slice %arg9[%add3A_10, %dma_wait3A_89] : memref<10000x128xf32, #tpu.memory_space<vmem_shared>> -> memref<104x128xf32, #tpu.memory_space<vmem_shared>>
      %dma_wait3A_91 = arith.constant 0 : i32
      %dma_wait3A_92 = tpu.memref_slice %arg9[%add3A_10, %dma_wait3A_91] : memref<10000x128xf32, #tpu.memory_space<vmem_shared>> -> memref<104x128xf32, #tpu.memory_space<vmem_shared>>
      tpu.wait_dma2 semaphore(%run_scoped3A_84 : memref<!tpu.dma_semaphore, #tpu.memory_space<semaphore_mem>>) src(%arg8 : memref<104x128xf32, #tpu.memory_space<vmem>>) dst(%dma_wait3A_92 : memref<104x128xf32, #tpu.memory_space<vmem_shared>>)
      tpu.yield
    }) : () -> ()
    %mul3A_11 = arith.constant 624 : i32
    %mul3A_12 = arith.muli %arg1, %mul3A_11 : i32
    %add3A_13 = arith.constant 208 : i32
    %add3A_14 = arith.addi %mul3A_12, %add3A_13 : i32
    "tpu.region"() ({
      %run_scoped3A_84 = tpu.sem_alloc : memref<!tpu.dma_semaphore, #tpu.memory_space<semaphore_mem>>
      %dma_start3A_85 = arith.constant 0 : i32
      %dma_start3A_86 = tpu.memref_slice %arg9[%add3A_14, %dma_start3A_85] : memref<10000x128xf32, #tpu.memory_space<vmem_shared>> -> memref<104x128xf32, #tpu.memory_space<vmem_shared>>
      %dma_start3A_87 = arith.constant 0 : i32
      %dma_start3A_88 = tpu.memref_slice %arg9[%add3A_14, %dma_start3A_87] : memref<10000x128xf32, #tpu.memory_space<vmem_shared>> -> memref<104x128xf32, #tpu.memory_space<vmem_shared>>
      tpu.enqueue_dma source(%arg8 : memref<104x128xf32, #tpu.memory_space<vmem>>) target(%dma_start3A_88 : memref<104x128xf32, #tpu.memory_space<vmem_shared>>) target_semaphore(%run_scoped3A_84 : memref<!tpu.dma_semaphore, #tpu.memory_space<semaphore_mem>>)
      %dma_wait3A_89 = arith.constant 0 : i32
      %dma_wait3A_90 = tpu.memref_slice %arg9[%add3A_14, %dma_wait3A_89] : memref<10000x128xf32, #tpu.memory_space<vmem_shared>> -> memref<104x128xf32, #tpu.memory_space<vmem_shared>>
      %dma_wait3A_91 = arith.constant 0 : i32
      %dma_wait3A_92 = tpu.memref_slice %arg9[%add3A_14, %dma_wait3A_91] : memref<10000x128xf32, #tpu.memory_space<vmem_shared>> -> memref<104x128xf32, #tpu.memory_space<vmem_shared>>
      tpu.wait_dma2 semaphore(%run_scoped3A_84 : memref<!tpu.dma_semaphore, #tpu.memory_space<semaphore_mem>>) src(%arg8 : memref<104x128xf32, #tpu.memory_space<vmem>>) dst(%dma_wait3A_92 : memref<104x128xf32, #tpu.memory_space<vmem_shared>>)
      tpu.yield
    }) : () -> ()
    %mul3A_15 = arith.constant 624 : i32
    %mul3A_16 = arith.muli %arg1, %mul3A_15 : i32
    %add3A_17 = arith.constant 312 : i32
    %add3A_18 = arith.addi %mul3A_16, %add3A_17 : i32
    "tpu.region"() ({
      %run_scoped3A_84 = tpu.sem_alloc : memref<!tpu.dma_semaphore, #tpu.memory_space<semaphore_mem>>
      %dma_start3A_85 = arith.constant 0 : i32
      %dma_start3A_86 = tpu.memref_slice %arg9[%add3A_18, %dma_start3A_85] : memref<10000x128xf32, #tpu.memory_space<vmem_shared>> -> memref<104x128xf32, #tpu.memory_space<vmem_shared>>
      %dma_start3A_87 = arith.constant 0 : i32
      %dma_start3A_88 = tpu.memref_slice %arg9[%add3A_18, %dma_start3A_87] : memref<10000x128xf32, #tpu.memory_space<vmem_shared>> -> memref<104x128xf32, #tpu.memory_space<vmem_shared>>
      tpu.enqueue_dma source(%arg8 : memref<104x128xf32, #tpu.memory_space<vmem>>) target(%dma_start3A_88 : memref<104x128xf32, #tpu.memory_space<vmem_shared>>) target_semaphore(%run_scoped3A_84 : memref<!tpu.dma_semaphore, #tpu.memory_space<semaphore_mem>>)
      %dma_wait3A_89 = arith.constant 0 : i32
      %dma_wait3A_90 = tpu.memref_slice %arg9[%add3A_18, %dma_wait3A_89] : memref<10000x128xf32, #tpu.memory_space<vmem_shared>> -> memref<104x128xf32, #tpu.memory_space<vmem_shared>>
      %dma_wait3A_91 = arith.constant 0 : i32
      %dma_wait3A_92 = tpu.memref_slice %arg9[%add3A_18, %dma_wait3A_91] : memref<10000x128xf32, #tpu.memory_space<vmem_shared>> -> memref<104x128xf32, #tpu.memory_space<vmem_shared>>
      tpu.wait_dma2 semaphore(%run_scoped3A_84 : memref<!tpu.dma_semaphore, #tpu.memory_space<semaphore_mem>>) src(%arg8 : memref<104x128xf32, #tpu.memory_space<vmem>>) dst(%dma_wait3A_92 : memref<104x128xf32, #tpu.memory_space<vmem_shared>>)
      tpu.yield
    }) : () -> ()
    %mul3A_19 = arith.constant 624 : i32
    %mul3A_20 = arith.muli %arg1, %mul3A_19 : i32
    %add3A_21 = arith.constant 416 : i32
    %add3A_22 = arith.addi %mul3A_20, %add3A_21 : i32
    "tpu.region"() ({
      %run_scoped3A_84 = tpu.sem_alloc : memref<!tpu.dma_semaphore, #tpu.memory_space<semaphore_mem>>
      %dma_start3A_85 = arith.constant 0 : i32
      %dma_start3A_86 = tpu.memref_slice %arg9[%add3A_22, %dma_start3A_85] : memref<10000x128xf32, #tpu.memory_space<vmem_shared>> -> memref<104x128xf32, #tpu.memory_space<vmem_shared>>
      %dma_start3A_87 = arith.constant 0 : i32
      %dma_start3A_88 = tpu.memref_slice %arg9[%add3A_22, %dma_start3A_87] : memref<10000x128xf32, #tpu.memory_space<vmem_shared>> -> memref<104x128xf32, #tpu.memory_space<vmem_shared>>
      tpu.enqueue_dma source(%arg8 : memref<104x128xf32, #tpu.memory_space<vmem>>) target(%dma_start3A_88 : memref<104x128xf32, #tpu.memory_space<vmem_shared>>) target_semaphore(%run_scoped3A_84 : memref<!tpu.dma_semaphore, #tpu.memory_space<semaphore_mem>>)
      %dma_wait3A_89 = arith.constant 0 : i32
      %dma_wait3A_90 = tpu.memref_slice %arg9[%add3A_22, %dma_wait3A_89] : memref<10000x128xf32, #tpu.memory_space<vmem_shared>> -> memref<104x128xf32, #tpu.memory_space<vmem_shared>>
      %dma_wait3A_91 = arith.constant 0 : i32
      %dma_wait3A_92 = tpu.memref_slice %arg9[%add3A_22, %dma_wait3A_91] : memref<10000x128xf32, #tpu.memory_space<vmem_shared>> -> memref<104x128xf32, #tpu.memory_space<vmem_shared>>
      tpu.wait_dma2 semaphore(%run_scoped3A_84 : memref<!tpu.dma_semaphore, #tpu.memory_space<semaphore_mem>>) src(%arg8 : memref<104x128xf32, #tpu.memory_space<vmem>>) dst(%dma_wait3A_92 : memref<104x128xf32, #tpu.memory_space<vmem_shared>>)
      tpu.yield
    }) : () -> ()
    %mul3A_23 = arith.constant 624 : i32
    %mul3A_24 = arith.muli %arg1, %mul3A_23 : i32
    %add3A_25 = arith.constant 520 : i32
    %add3A_26 = arith.addi %mul3A_24, %add3A_25 : i32
    "tpu.region"() ({
      %run_scoped3A_84 = tpu.sem_alloc : memref<!tpu.dma_semaphore, #tpu.memory_space<semaphore_mem>>
      %dma_start3A_85 = arith.constant 0 : i32
      %dma_start3A_86 = tpu.memref_slice %arg9[%add3A_26, %dma_start3A_85] : memref<10000x128xf32, #tpu.memory_space<vmem_shared>> -> memref<104x128xf32, #tpu.memory_space<vmem_shared>>
      %dma_start3A_87 = arith.constant 0 : i32
      %dma_start3A_88 = tpu.memref_slice %arg9[%add3A_26, %dma_start3A_87] : memref<10000x128xf32, #tpu.memory_space<vmem_shared>> -> memref<104x128xf32, #tpu.memory_space<vmem_shared>>
      tpu.enqueue_dma source(%arg8 : memref<104x128xf32, #tpu.memory_space<vmem>>) target(%dma_start3A_88 : memref<104x128xf32, #tpu.memory_space<vmem_shared>>) target_semaphore(%run_scoped3A_84 : memref<!tpu.dma_semaphore, #tpu.memory_space<semaphore_mem>>)
      %dma_wait3A_89 = arith.constant 0 : i32
      %dma_wait3A_90 = tpu.memref_slice %arg9[%add3A_26, %dma_wait3A_89] : memref<10000x128xf32, #tpu.memory_space<vmem_shared>> -> memref<104x128xf32, #tpu.memory_space<vmem_shared>>
      %dma_wait3A_91 = arith.constant 0 : i32
      %dma_wait3A_92 = tpu.memref_slice %arg9[%add3A_26, %dma_wait3A_91] : memref<10000x128xf32, #tpu.memory_space<vmem_shared>> -> memref<104x128xf32, #tpu.memory_space<vmem_shared>>
      tpu.wait_dma2 semaphore(%run_scoped3A_84 : memref<!tpu.dma_semaphore, #tpu.memory_space<semaphore_mem>>) src(%arg8 : memref<104x128xf32, #tpu.memory_space<vmem>>) dst(%dma_wait3A_92 : memref<104x128xf32, #tpu.memory_space<vmem_shared>>)
      tpu.yield
    }) : () -> ()
    %eq3A = arith.constant 0 : i32
    %eq3A_27 = arith.cmpi eq, %arg1, %eq3A : i32
    %convert_element_type3A = arith.extui %eq3A_27 : i1 to i32
    %cond3A = arith.constant 0 : i32
    %cond3A_28 = arith.cmpi ne, %convert_element_type3A, %cond3A : i32
    scf.if %cond3A_28 {
      "tpu.region"() ({
        %run_scoped3A_84 = tpu.sem_alloc : memref<!tpu.dma_semaphore, #tpu.memory_space<semaphore_mem>>
        %dma_start3A_85 = arith.constant 0 : i32
        %dma_start3A_86 = arith.constant 0 : i32
        %dma_start3A_87 = tpu.memref_slice %arg8[%dma_start3A_85, %dma_start3A_86] : memref<104x128xf32, #tpu.memory_space<vmem>> -> memref<16x128xf32, #tpu.memory_space<vmem>>
        %dma_start3A_88 = arith.constant 9984 : i32
        %dma_start3A_89 = arith.constant 0 : i32
        %dma_start3A_90 = tpu.memref_slice %arg9[%dma_start3A_88, %dma_start3A_89] : memref<10000x128xf32, #tpu.memory_space<vmem_shared>> -> memref<16x128xf32, #tpu.memory_space<vmem_shared>>
        %dma_start3A_91 = arith.constant 9984 : i32
        %dma_start3A_92 = arith.constant 0 : i32
        %dma_start3A_93 = tpu.memref_slice %arg9[%dma_start3A_91, %dma_start3A_92] : memref<10000x128xf32, #tpu.memory_space<vmem_shared>> -> memref<16x128xf32, #tpu.memory_space<vmem_shared>>
        %dma_start3A_94 = arith.constant 0 : i32
        %dma_start3A_95 = arith.constant 0 : i32
        %dma_start3A_96 = tpu.memref_slice %arg8[%dma_start3A_94, %dma_start3A_95] : memref<104x128xf32, #tpu.memory_space<vmem>> -> memref<16x128xf32, #tpu.memory_space<vmem>>
        tpu.enqueue_dma source(%dma_start3A_96 : memref<16x128xf32, #tpu.memory_space<vmem>>) target(%dma_start3A_93 : memref<16x128xf32, #tpu.memory_space<vmem_shared>>) target_semaphore(%run_scoped3A_84 : memref<!tpu.dma_semaphore, #tpu.memory_space<semaphore_mem>>)
        %dma_wait3A_97 = arith.constant 0 : i32
        %dma_wait3A_98 = arith.constant 0 : i32
        %dma_wait3A_99 = tpu.memref_slice %arg8[%dma_wait3A_97, %dma_wait3A_98] : memref<104x128xf32, #tpu.memory_space<vmem>> -> memref<16x128xf32, #tpu.memory_space<vmem>>
        %dma_wait3A_100 = arith.constant 9984 : i32
        %dma_wait3A_101 = arith.constant 0 : i32
        %dma_wait3A_102 = tpu.memref_slice %arg9[%dma_wait3A_100, %dma_wait3A_101] : memref<10000x128xf32, #tpu.memory_space<vmem_shared>> -> memref<16x128xf32, #tpu.memory_space<vmem_shared>>
        %dma_wait3A_103 = arith.constant 9984 : i32
        %dma_wait3A_104 = arith.constant 0 : i32
        %dma_wait3A_105 = tpu.memref_slice %arg9[%dma_wait3A_103, %dma_wait3A_104] : memref<10000x128xf32, #tpu.memory_space<vmem_shared>> -> memref<16x128xf32, #tpu.memory_space<vmem_shared>>
        %dma_wait3A_106 = arith.constant 0 : i32
        %dma_wait3A_107 = arith.constant 0 : i32
        %dma_wait3A_108 = tpu.memref_slice %arg8[%dma_wait3A_106, %dma_wait3A_107] : memref<104x128xf32, #tpu.memory_space<vmem>> -> memref<16x128xf32, #tpu.memory_space<vmem>>
        tpu.wait_dma2 semaphore(%run_scoped3A_84 : memref<!tpu.dma_semaphore, #tpu.memory_space<semaphore_mem>>) src(%dma_wait3A_108 : memref<16x128xf32, #tpu.memory_space<vmem>>) dst(%dma_wait3A_105 : memref<16x128xf32, #tpu.memory_space<vmem_shared>>)
        tpu.yield
      }) : () -> ()
    } else {
    }
    %barrier3A = arith.constant 0 : index
    tpu.barrier barrier_id(%barrier3A)
    %mul3A_29 = arith.constant 16 : i32
    %mul3A_30 = arith.muli %arg0, %mul3A_29 : i32
    %add3A_31 = arith.addi %mul3A_30, %arg1 : i32
    %mul3A_32 = arith.constant 10000 : i32
    %mul3A_33 = arith.muli %add3A_31, %mul3A_32 : i32
    "tpu.region"() ({
      %run_scoped3A_84 = tpu.sem_alloc : memref<!tpu.dma_semaphore, #tpu.memory_space<semaphore_mem>>
      %dma_start3A_85 = arith.constant 0 : i32
      %dma_start3A_86 = arith.constant 0 : i32
      %dma_start3A_87 = tpu.memref_slice %arg3[%add3A_31, %dma_start3A_85, %dma_start3A_86] : memref<32x125x80xi32, #tpu.memory_space<hbm>> -> memref<1x125x80xi32, #tpu.memory_space<hbm>>
      %dma_start3A_88 = tpu.memref_squeeze %dma_start3A_87 : memref<1x125x80xi32, #tpu.memory_space<hbm>> -> memref<125x80xi32, #tpu.memory_space<hbm>>
      %dma_start3A_89 = arith.constant 0 : i32
      %dma_start3A_90 = arith.constant 0 : i32
      %dma_start3A_91 = tpu.memref_slice %arg3[%add3A_31, %dma_start3A_89, %dma_start3A_90] : memref<32x125x80xi32, #tpu.memory_space<hbm>> -> memref<1x125x80xi32, #tpu.memory_space<hbm>>
      %dma_start3A_92 = tpu.memref_squeeze %dma_start3A_91 : memref<1x125x80xi32, #tpu.memory_space<hbm>> -> memref<125x80xi32, #tpu.memory_space<hbm>>
      tpu.enqueue_dma source(%dma_start3A_92 : memref<125x80xi32, #tpu.memory_space<hbm>>) target(%arg5 : memref<125x80xi32, #tpu.memory_space<vmem>>) target_semaphore(%run_scoped3A_84 : memref<!tpu.dma_semaphore, #tpu.memory_space<semaphore_mem>>)
      %dma_wait3A_93 = arith.constant 0 : i32
      %dma_wait3A_94 = arith.constant 0 : i32
      %dma_wait3A_95 = tpu.memref_slice %arg3[%add3A_31, %dma_wait3A_93, %dma_wait3A_94] : memref<32x125x80xi32, #tpu.memory_space<hbm>> -> memref<1x125x80xi32, #tpu.memory_space<hbm>>
      %dma_wait3A_96 = tpu.memref_squeeze %dma_wait3A_95 : memref<1x125x80xi32, #tpu.memory_space<hbm>> -> memref<125x80xi32, #tpu.memory_space<hbm>>
      %dma_wait3A_97 = arith.constant 0 : i32
      %dma_wait3A_98 = arith.constant 0 : i32
      %dma_wait3A_99 = tpu.memref_slice %arg3[%add3A_31, %dma_wait3A_97, %dma_wait3A_98] : memref<32x125x80xi32, #tpu.memory_space<hbm>> -> memref<1x125x80xi32, #tpu.memory_space<hbm>>
      %dma_wait3A_100 = tpu.memref_squeeze %dma_wait3A_99 : memref<1x125x80xi32, #tpu.memory_space<hbm>> -> memref<125x80xi32, #tpu.memory_space<hbm>>
      tpu.wait_dma2 semaphore(%run_scoped3A_84 : memref<!tpu.dma_semaphore, #tpu.memory_space<semaphore_mem>>) src(%dma_wait3A_100 : memref<125x80xi32, #tpu.memory_space<hbm>>) dst(%arg5 : memref<125x80xi32, #tpu.memory_space<vmem>>)
      tpu.yield
    }) : () -> ()
    %add3A_34 = arith.constant 0 : i32
    %add3A_35 = arith.addi %mul3A_33, %add3A_34 : i32
    %dma_start3A = arith.constant 0 : i32
    %dma_start3A_36 = tpu.memref_slice %arg2[%add3A_35, %dma_start3A] : memref<320000x128xf32, #tpu.memory_space<hbm>> -> memref<80x128xf32, #tpu.memory_space<hbm>>
    %dma_start3A_37 = arith.constant 0 : i32
    %dma_start3A_38 = tpu.memref_slice %arg2[%add3A_35, %dma_start3A_37] : memref<320000x128xf32, #tpu.memory_space<hbm>> -> memref<80x128xf32, #tpu.memory_space<hbm>>
    tpu.enqueue_dma source(%dma_start3A_38 : memref<80x128xf32, #tpu.memory_space<hbm>>) target(%arg6 : memref<80x128xf32, #tpu.memory_space<vmem>>) target_semaphore(%arg10 : memref<!tpu.dma_semaphore, #tpu.memory_space<semaphore_mem>>)
    %add3A_39 = arith.constant 80 : i32
    %add3A_40 = arith.addi %mul3A_33, %add3A_39 : i32
    %dma_start3A_41 = arith.constant 0 : i32
    %dma_start3A_42 = tpu.memref_slice %arg2[%add3A_40, %dma_start3A_41] : memref<320000x128xf32, #tpu.memory_space<hbm>> -> memref<80x128xf32, #tpu.memory_space<hbm>>
    %dma_start3A_43 = arith.constant 0 : i32
    %dma_start3A_44 = tpu.memref_slice %arg2[%add3A_40, %dma_start3A_43] : memref<320000x128xf32, #tpu.memory_space<hbm>> -> memref<80x128xf32, #tpu.memory_space<hbm>>
    tpu.enqueue_dma source(%dma_start3A_44 : memref<80x128xf32, #tpu.memory_space<hbm>>) target(%arg7 : memref<80x128xf32, #tpu.memory_space<vmem>>) target_semaphore(%arg11 : memref<!tpu.dma_semaphore, #tpu.memory_space<semaphore_mem>>)
    %scan3A_45 = arith.constant 0 : i32
    %scan3A_46 = arith.constant 0 : i32
    %scan3A_47 = arith.constant 61 : i32
    %scan3A_48 = arith.addi %scan3A_46, %scan3A_47 : i32
    %scan3A_49 = arith.constant 1 : i32
    scf.for %scan3A_84 = %scan3A_46 to %scan3A_48 step %scan3A_49  : i32 {
      %mul3A_85 = arith.constant 2 : i32
      %mul3A_86 = arith.muli %mul3A_85, %scan3A_84 : i32
      %mul3A_87 = arith.constant 80 : i32
      %mul3A_88 = arith.muli %mul3A_86, %mul3A_87 : i32
      %add3A_89 = arith.addi %mul3A_33, %mul3A_88 : i32
      %dma_wait3A_90 = arith.constant 0 : i32
      %dma_wait3A_91 = tpu.memref_slice %arg2[%add3A_89, %dma_wait3A_90] : memref<320000x128xf32, #tpu.memory_space<hbm>> -> memref<80x128xf32, #tpu.memory_space<hbm>>
      %dma_wait3A_92 = arith.constant 0 : i32
      %dma_wait3A_93 = tpu.memref_slice %arg2[%add3A_89, %dma_wait3A_92] : memref<320000x128xf32, #tpu.memory_space<hbm>> -> memref<80x128xf32, #tpu.memory_space<hbm>>
      tpu.wait_dma2 semaphore(%arg10 : memref<!tpu.dma_semaphore, #tpu.memory_space<semaphore_mem>>) src(%dma_wait3A_93 : memref<80x128xf32, #tpu.memory_space<hbm>>) dst(%arg6 : memref<80x128xf32, #tpu.memory_space<vmem>>)
      "tpu.region"() ({
        %run_scoped3A_127 = tpu.sem_alloc : memref<!tpu.dma_semaphore, #tpu.memory_space<semaphore_mem>>
        %dma_start3A_128 = arith.constant 0 : i32
        %dma_start3A_129 = tpu.memref_slice %arg5[%mul3A_86, %dma_start3A_128] : memref<125x80xi32, #tpu.memory_space<vmem>> -> memref<1x80xi32, #tpu.memory_space<vmem>>
        %dma_start3A_130 = tpu.memref_squeeze %dma_start3A_129 : memref<1x80xi32, #tpu.memory_space<vmem>> -> memref<80xi32, #tpu.memory_space<vmem>>
        %dma_start3A_131 = arith.constant 0 : i32
        %dma_start3A_132 = arith.constant 0 : i32
        %dma_start3A_133 = tpu.memref_slice %arg9[%dma_start3A_131, %dma_start3A_132] : memref<10000x128xf32, #tpu.memory_space<vmem_shared>> -> memref<10000x128xf32, #tpu.memory_space<vmem_shared>>
        tpu.enqueue_indirect_dma source(%arg6 : memref<80x128xf32, #tpu.memory_space<vmem>>) target(%dma_start3A_133 : memref<10000x128xf32, #tpu.memory_space<vmem_shared>>) offsets(%dma_start3A_130 : memref<80xi32, #tpu.memory_space<vmem>>) semaphore(%run_scoped3A_127 : memref<!tpu.dma_semaphore, #tpu.memory_space<semaphore_mem>>) {add = true}
        %dma_wait3A_134 = arith.constant 0 : i32
        %dma_wait3A_135 = tpu.memref_slice %arg5[%mul3A_86, %dma_wait3A_134] : memref<125x80xi32, #tpu.memory_space<vmem>> -> memref<1x80xi32, #tpu.memory_space<vmem>>
        %dma_wait3A_136 = tpu.memref_squeeze %dma_wait3A_135 : memref<1x80xi32, #tpu.memory_space<vmem>> -> memref<80xi32, #tpu.memory_space<vmem>>
        %dma_wait3A_137 = arith.constant 0 : i32
        %dma_wait3A_138 = arith.constant 0 : i32
        %dma_wait3A_139 = tpu.memref_slice %arg9[%dma_wait3A_137, %dma_wait3A_138] : memref<10000x128xf32, #tpu.memory_space<vmem_shared>> -> memref<10000x128xf32, #tpu.memory_space<vmem_shared>>
        tpu.wait_indirect_dma semaphore(%run_scoped3A_127 : memref<!tpu.dma_semaphore, #tpu.memory_space<semaphore_mem>>) src(%arg6 : memref<80x128xf32, #tpu.memory_space<vmem>>) dst(%dma_wait3A_139 : memref<10000x128xf32, #tpu.memory_space<vmem_shared>>)
        tpu.yield
      }) : () -> ()
      %mul3A_94 = arith.constant 2 : i32
      %mul3A_95 = arith.muli %mul3A_94, %scan3A_84 : i32
      %add3A_96 = arith.constant 2 : i32
      %add3A_97 = arith.addi %mul3A_95, %add3A_96 : i32
      %mul3A_98 = arith.constant 80 : i32
      %mul3A_99 = arith.muli %add3A_97, %mul3A_98 : i32
      %add3A_100 = arith.addi %mul3A_33, %mul3A_99 : i32
      %dma_start3A_101 = arith.constant 0 : i32
      %dma_start3A_102 = tpu.memref_slice %arg2[%add3A_100, %dma_start3A_101] : memref<320000x128xf32, #tpu.memory_space<hbm>> -> memref<80x128xf32, #tpu.memory_space<hbm>>
      %dma_start3A_103 = arith.constant 0 : i32
      %dma_start3A_104 = tpu.memref_slice %arg2[%add3A_100, %dma_start3A_103] : memref<320000x128xf32, #tpu.memory_space<hbm>> -> memref<80x128xf32, #tpu.memory_space<hbm>>
      tpu.enqueue_dma source(%dma_start3A_104 : memref<80x128xf32, #tpu.memory_space<hbm>>) target(%arg6 : memref<80x128xf32, #tpu.memory_space<vmem>>) target_semaphore(%arg10 : memref<!tpu.dma_semaphore, #tpu.memory_space<semaphore_mem>>)
      %mul3A_105 = arith.constant 2 : i32
      %mul3A_106 = arith.muli %mul3A_105, %scan3A_84 : i32
      %add3A_107 = arith.constant 1 : i32
      %add3A_108 = arith.addi %mul3A_106, %add3A_107 : i32
      %mul3A_109 = arith.constant 80 : i32
      %mul3A_110 = arith.muli %add3A_108, %mul3A_109 : i32
      %add3A_111 = arith.addi %mul3A_33, %mul3A_110 : i32
      %dma_wait3A_112 = arith.constant 0 : i32
      %dma_wait3A_113 = tpu.memref_slice %arg2[%add3A_111, %dma_wait3A_112] : memref<320000x128xf32, #tpu.memory_space<hbm>> -> memref<80x128xf32, #tpu.memory_space<hbm>>
      %dma_wait3A_114 = arith.constant 0 : i32
      %dma_wait3A_115 = tpu.memref_slice %arg2[%add3A_111, %dma_wait3A_114] : memref<320000x128xf32, #tpu.memory_space<hbm>> -> memref<80x128xf32, #tpu.memory_space<hbm>>
      tpu.wait_dma2 semaphore(%arg11 : memref<!tpu.dma_semaphore, #tpu.memory_space<semaphore_mem>>) src(%dma_wait3A_115 : memref<80x128xf32, #tpu.memory_space<hbm>>) dst(%arg7 : memref<80x128xf32, #tpu.memory_space<vmem>>)
      "tpu.region"() ({
        %run_scoped3A_127 = tpu.sem_alloc : memref<!tpu.dma_semaphore, #tpu.memory_space<semaphore_mem>>
        %dma_start3A_128 = arith.constant 0 : i32
        %dma_start3A_129 = tpu.memref_slice %arg5[%add3A_108, %dma_start3A_128] : memref<125x80xi32, #tpu.memory_space<vmem>> -> memref<1x80xi32, #tpu.memory_space<vmem>>
        %dma_start3A_130 = tpu.memref_squeeze %dma_start3A_129 : memref<1x80xi32, #tpu.memory_space<vmem>> -> memref<80xi32, #tpu.memory_space<vmem>>
        %dma_start3A_131 = arith.constant 0 : i32
        %dma_start3A_132 = arith.constant 0 : i32
        %dma_start3A_133 = tpu.memref_slice %arg9[%dma_start3A_131, %dma_start3A_132] : memref<10000x128xf32, #tpu.memory_space<vmem_shared>> -> memref<10000x128xf32, #tpu.memory_space<vmem_shared>>
        tpu.enqueue_indirect_dma source(%arg7 : memref<80x128xf32, #tpu.memory_space<vmem>>) target(%dma_start3A_133 : memref<10000x128xf32, #tpu.memory_space<vmem_shared>>) offsets(%dma_start3A_130 : memref<80xi32, #tpu.memory_space<vmem>>) semaphore(%run_scoped3A_127 : memref<!tpu.dma_semaphore, #tpu.memory_space<semaphore_mem>>) {add = true}
        %dma_wait3A_134 = arith.constant 0 : i32
        %dma_wait3A_135 = tpu.memref_slice %arg5[%add3A_108, %dma_wait3A_134] : memref<125x80xi32, #tpu.memory_space<vmem>> -> memref<1x80xi32, #tpu.memory_space<vmem>>
        %dma_wait3A_136 = tpu.memref_squeeze %dma_wait3A_135 : memref<1x80xi32, #tpu.memory_space<vmem>> -> memref<80xi32, #tpu.memory_space<vmem>>
        %dma_wait3A_137 = arith.constant 0 : i32
        %dma_wait3A_138 = arith.constant 0 : i32
        %dma_wait3A_139 = tpu.memref_slice %arg9[%dma_wait3A_137, %dma_wait3A_138] : memref<10000x128xf32, #tpu.memory_space<vmem_shared>> -> memref<10000x128xf32, #tpu.memory_space<vmem_shared>>
        tpu.wait_indirect_dma semaphore(%run_scoped3A_127 : memref<!tpu.dma_semaphore, #tpu.memory_space<semaphore_mem>>) src(%arg7 : memref<80x128xf32, #tpu.memory_space<vmem>>) dst(%dma_wait3A_139 : memref<10000x128xf32, #tpu.memory_space<vmem_shared>>)
        tpu.yield
      }) : () -> ()
      %mul3A_116 = arith.constant 2 : i32
      %mul3A_117 = arith.muli %mul3A_116, %scan3A_84 : i32
      %add3A_118 = arith.constant 3 : i32
      %add3A_119 = arith.addi %mul3A_117, %add3A_118 : i32
      %mul3A_120 = arith.constant 80 : i32
      %mul3A_121 = arith.muli %add3A_119, %mul3A_120 : i32
      %add3A_122 = arith.addi %mul3A_33, %mul3A_121 : i32
      %dma_start3A_123 = arith.constant 0 : i32
      %dma_start3A_124 = tpu.memref_slice %arg2[%add3A_122, %dma_start3A_123] : memref<320000x128xf32, #tpu.memory_space<hbm>> -> memref<80x128xf32, #tpu.memory_space<hbm>>
      %dma_start3A_125 = arith.constant 0 : i32
      %dma_start3A_126 = tpu.memref_slice %arg2[%add3A_122, %dma_start3A_125] : memref<320000x128xf32, #tpu.memory_space<hbm>> -> memref<80x128xf32, #tpu.memory_space<hbm>>
      tpu.enqueue_dma source(%dma_start3A_126 : memref<80x128xf32, #tpu.memory_space<hbm>>) target(%arg7 : memref<80x128xf32, #tpu.memory_space<vmem>>) target_semaphore(%arg11 : memref<!tpu.dma_semaphore, #tpu.memory_space<semaphore_mem>>)
    }
    %scan3A_50 = arith.constant 61 : i32
    %add3A_51 = arith.constant 9760 : i32
    %add3A_52 = arith.addi %mul3A_33, %add3A_51 : i32
    %dma_wait3A = arith.constant 0 : i32
    %dma_wait3A_53 = tpu.memref_slice %arg2[%add3A_52, %dma_wait3A] : memref<320000x128xf32, #tpu.memory_space<hbm>> -> memref<80x128xf32, #tpu.memory_space<hbm>>
    %dma_wait3A_54 = arith.constant 0 : i32
    %dma_wait3A_55 = tpu.memref_slice %arg2[%add3A_52, %dma_wait3A_54] : memref<320000x128xf32, #tpu.memory_space<hbm>> -> memref<80x128xf32, #tpu.memory_space<hbm>>
    tpu.wait_dma2 semaphore(%arg10 : memref<!tpu.dma_semaphore, #tpu.memory_space<semaphore_mem>>) src(%dma_wait3A_55 : memref<80x128xf32, #tpu.memory_space<hbm>>) dst(%arg6 : memref<80x128xf32, #tpu.memory_space<vmem>>)
    %run_scoped3A = arith.constant 122 : i32
    "tpu.region"() ({
      %run_scoped3A_84 = tpu.sem_alloc : memref<!tpu.dma_semaphore, #tpu.memory_space<semaphore_mem>>
      %dma_start3A_85 = arith.constant 0 : i32
      %dma_start3A_86 = tpu.memref_slice %arg5[%run_scoped3A, %dma_start3A_85] : memref<125x80xi32, #tpu.memory_space<vmem>> -> memref<1x80xi32, #tpu.memory_space<vmem>>
      %dma_start3A_87 = tpu.memref_squeeze %dma_start3A_86 : memref<1x80xi32, #tpu.memory_space<vmem>> -> memref<80xi32, #tpu.memory_space<vmem>>
      %dma_start3A_88 = arith.constant 0 : i32
      %dma_start3A_89 = arith.constant 0 : i32
      %dma_start3A_90 = tpu.memref_slice %arg9[%dma_start3A_88, %dma_start3A_89] : memref<10000x128xf32, #tpu.memory_space<vmem_shared>> -> memref<10000x128xf32, #tpu.memory_space<vmem_shared>>
      tpu.enqueue_indirect_dma source(%arg6 : memref<80x128xf32, #tpu.memory_space<vmem>>) target(%dma_start3A_90 : memref<10000x128xf32, #tpu.memory_space<vmem_shared>>) offsets(%dma_start3A_87 : memref<80xi32, #tpu.memory_space<vmem>>) semaphore(%run_scoped3A_84 : memref<!tpu.dma_semaphore, #tpu.memory_space<semaphore_mem>>) {add = true}
      %dma_wait3A_91 = arith.constant 0 : i32
      %dma_wait3A_92 = tpu.memref_slice %arg5[%run_scoped3A, %dma_wait3A_91] : memref<125x80xi32, #tpu.memory_space<vmem>> -> memref<1x80xi32, #tpu.memory_space<vmem>>
      %dma_wait3A_93 = tpu.memref_squeeze %dma_wait3A_92 : memref<1x80xi32, #tpu.memory_space<vmem>> -> memref<80xi32, #tpu.memory_space<vmem>>
      %dma_wait3A_94 = arith.constant 0 : i32
      %dma_wait3A_95 = arith.constant 0 : i32
      %dma_wait3A_96 = tpu.memref_slice %arg9[%dma_wait3A_94, %dma_wait3A_95] : memref<10000x128xf32, #tpu.memory_space<vmem_shared>> -> memref<10000x128xf32, #tpu.memory_space<vmem_shared>>
      tpu.wait_indirect_dma semaphore(%run_scoped3A_84 : memref<!tpu.dma_semaphore, #tpu.memory_space<semaphore_mem>>) src(%arg6 : memref<80x128xf32, #tpu.memory_space<vmem>>) dst(%dma_wait3A_96 : memref<10000x128xf32, #tpu.memory_space<vmem_shared>>)
      tpu.yield
    }) : () -> ()
    %add3A_56 = arith.constant 9920 : i32
    %add3A_57 = arith.addi %mul3A_33, %add3A_56 : i32
    %dma_start3A_58 = arith.constant 0 : i32
    %dma_start3A_59 = tpu.memref_slice %arg2[%add3A_57, %dma_start3A_58] : memref<320000x128xf32, #tpu.memory_space<hbm>> -> memref<80x128xf32, #tpu.memory_space<hbm>>
    %dma_start3A_60 = arith.constant 0 : i32
    %dma_start3A_61 = tpu.memref_slice %arg2[%add3A_57, %dma_start3A_60] : memref<320000x128xf32, #tpu.memory_space<hbm>> -> memref<80x128xf32, #tpu.memory_space<hbm>>
    tpu.enqueue_dma source(%dma_start3A_61 : memref<80x128xf32, #tpu.memory_space<hbm>>) target(%arg6 : memref<80x128xf32, #tpu.memory_space<vmem>>) target_semaphore(%arg10 : memref<!tpu.dma_semaphore, #tpu.memory_space<semaphore_mem>>)
    %add3A_62 = arith.constant 9840 : i32
    %add3A_63 = arith.addi %mul3A_33, %add3A_62 : i32
    %dma_wait3A_64 = arith.constant 0 : i32
    %dma_wait3A_65 = tpu.memref_slice %arg2[%add3A_63, %dma_wait3A_64] : memref<320000x128xf32, #tpu.memory_space<hbm>> -> memref<80x128xf32, #tpu.memory_space<hbm>>
    %dma_wait3A_66 = arith.constant 0 : i32
    %dma_wait3A_67 = tpu.memref_slice %arg2[%add3A_63, %dma_wait3A_66] : memref<320000x128xf32, #tpu.memory_space<hbm>> -> memref<80x128xf32, #tpu.memory_space<hbm>>
    tpu.wait_dma2 semaphore(%arg11 : memref<!tpu.dma_semaphore, #tpu.memory_space<semaphore_mem>>) src(%dma_wait3A_67 : memref<80x128xf32, #tpu.memory_space<hbm>>) dst(%arg7 : memref<80x128xf32, #tpu.memory_space<vmem>>)
    %run_scoped3A_68 = arith.constant 123 : i32
    "tpu.region"() ({
      %run_scoped3A_84 = tpu.sem_alloc : memref<!tpu.dma_semaphore, #tpu.memory_space<semaphore_mem>>
      %dma_start3A_85 = arith.constant 0 : i32
      %dma_start3A_86 = tpu.memref_slice %arg5[%run_scoped3A_68, %dma_start3A_85] : memref<125x80xi32, #tpu.memory_space<vmem>> -> memref<1x80xi32, #tpu.memory_space<vmem>>
      %dma_start3A_87 = tpu.memref_squeeze %dma_start3A_86 : memref<1x80xi32, #tpu.memory_space<vmem>> -> memref<80xi32, #tpu.memory_space<vmem>>
      %dma_start3A_88 = arith.constant 0 : i32
      %dma_start3A_89 = arith.constant 0 : i32
      %dma_start3A_90 = tpu.memref_slice %arg9[%dma_start3A_88, %dma_start3A_89] : memref<10000x128xf32, #tpu.memory_space<vmem_shared>> -> memref<10000x128xf32, #tpu.memory_space<vmem_shared>>
      tpu.enqueue_indirect_dma source(%arg7 : memref<80x128xf32, #tpu.memory_space<vmem>>) target(%dma_start3A_90 : memref<10000x128xf32, #tpu.memory_space<vmem_shared>>) offsets(%dma_start3A_87 : memref<80xi32, #tpu.memory_space<vmem>>) semaphore(%run_scoped3A_84 : memref<!tpu.dma_semaphore, #tpu.memory_space<semaphore_mem>>) {add = true}
      %dma_wait3A_91 = arith.constant 0 : i32
      %dma_wait3A_92 = tpu.memref_slice %arg5[%run_scoped3A_68, %dma_wait3A_91] : memref<125x80xi32, #tpu.memory_space<vmem>> -> memref<1x80xi32, #tpu.memory_space<vmem>>
      %dma_wait3A_93 = tpu.memref_squeeze %dma_wait3A_92 : memref<1x80xi32, #tpu.memory_space<vmem>> -> memref<80xi32, #tpu.memory_space<vmem>>
      %dma_wait3A_94 = arith.constant 0 : i32
      %dma_wait3A_95 = arith.constant 0 : i32
      %dma_wait3A_96 = tpu.memref_slice %arg9[%dma_wait3A_94, %dma_wait3A_95] : memref<10000x128xf32, #tpu.memory_space<vmem_shared>> -> memref<10000x128xf32, #tpu.memory_space<vmem_shared>>
      tpu.wait_indirect_dma semaphore(%run_scoped3A_84 : memref<!tpu.dma_semaphore, #tpu.memory_space<semaphore_mem>>) src(%arg7 : memref<80x128xf32, #tpu.memory_space<vmem>>) dst(%dma_wait3A_96 : memref<10000x128xf32, #tpu.memory_space<vmem_shared>>)
      tpu.yield
    }) : () -> ()
    %add3A_69 = arith.constant 9920 : i32
    %add3A_70 = arith.addi %mul3A_33, %add3A_69 : i32
    %dma_wait3A_71 = arith.constant 0 : i32
    %dma_wait3A_72 = tpu.memref_slice %arg2[%add3A_70, %dma_wait3A_71] : memref<320000x128xf32, #tpu.memory_space<hbm>> -> memref<80x128xf32, #tpu.memory_space<hbm>>
    %dma_wait3A_73 = arith.constant 0 : i32
    %dma_wait3A_74 = tpu.memref_slice %arg2[%add3A_70, %dma_wait3A_73] : memref<320000x128xf32, #tpu.memory_space<hbm>> -> memref<80x128xf32, #tpu.memory_space<hbm>>
    tpu.wait_dma2 semaphore(%arg10 : memref<!tpu.dma_semaphore, #tpu.memory_space<semaphore_mem>>) src(%dma_wait3A_74 : memref<80x128xf32, #tpu.memory_space<hbm>>) dst(%arg6 : memref<80x128xf32, #tpu.memory_space<vmem>>)
    %run_scoped3A_75 = arith.constant 124 : i32
    "tpu.region"() ({
      %run_scoped3A_84 = tpu.sem_alloc : memref<!tpu.dma_semaphore, #tpu.memory_space<semaphore_mem>>
      %dma_start3A_85 = arith.constant 0 : i32
      %dma_start3A_86 = tpu.memref_slice %arg5[%run_scoped3A_75, %dma_start3A_85] : memref<125x80xi32, #tpu.memory_space<vmem>> -> memref<1x80xi32, #tpu.memory_space<vmem>>
      %dma_start3A_87 = tpu.memref_squeeze %dma_start3A_86 : memref<1x80xi32, #tpu.memory_space<vmem>> -> memref<80xi32, #tpu.memory_space<vmem>>
      %dma_start3A_88 = arith.constant 0 : i32
      %dma_start3A_89 = arith.constant 0 : i32
      %dma_start3A_90 = tpu.memref_slice %arg9[%dma_start3A_88, %dma_start3A_89] : memref<10000x128xf32, #tpu.memory_space<vmem_shared>> -> memref<10000x128xf32, #tpu.memory_space<vmem_shared>>
      tpu.enqueue_indirect_dma source(%arg6 : memref<80x128xf32, #tpu.memory_space<vmem>>) target(%dma_start3A_90 : memref<10000x128xf32, #tpu.memory_space<vmem_shared>>) offsets(%dma_start3A_87 : memref<80xi32, #tpu.memory_space<vmem>>) semaphore(%run_scoped3A_84 : memref<!tpu.dma_semaphore, #tpu.memory_space<semaphore_mem>>) {add = true}
      %dma_wait3A_91 = arith.constant 0 : i32
      %dma_wait3A_92 = tpu.memref_slice %arg5[%run_scoped3A_75, %dma_wait3A_91] : memref<125x80xi32, #tpu.memory_space<vmem>> -> memref<1x80xi32, #tpu.memory_space<vmem>>
      %dma_wait3A_93 = tpu.memref_squeeze %dma_wait3A_92 : memref<1x80xi32, #tpu.memory_space<vmem>> -> memref<80xi32, #tpu.memory_space<vmem>>
      %dma_wait3A_94 = arith.constant 0 : i32
      %dma_wait3A_95 = arith.constant 0 : i32
      %dma_wait3A_96 = tpu.memref_slice %arg9[%dma_wait3A_94, %dma_wait3A_95] : memref<10000x128xf32, #tpu.memory_space<vmem_shared>> -> memref<10000x128xf32, #tpu.memory_space<vmem_shared>>
      tpu.wait_indirect_dma semaphore(%run_scoped3A_84 : memref<!tpu.dma_semaphore, #tpu.memory_space<semaphore_mem>>) src(%arg6 : memref<80x128xf32, #tpu.memory_space<vmem>>) dst(%dma_wait3A_96 : memref<10000x128xf32, #tpu.memory_space<vmem_shared>>)
      tpu.yield
    }) : () -> ()
    %barrier3A_76 = arith.constant 0 : index
    tpu.barrier barrier_id(%barrier3A_76)
    %mul3A_77 = arith.constant 624 : i32
    %mul3A_78 = arith.muli %arg1, %mul3A_77 : i32
    "tpu.region"() ({
      %run_scoped3A_84 = tpu.sem_alloc : memref<!tpu.dma_semaphore, #tpu.memory_space<semaphore_mem>>
      %dma_start3A_85 = arith.constant 0 : i32
      %dma_start3A_86 = tpu.memref_slice %arg4[%arg0, %mul3A_78, %dma_start3A_85] : memref<2x10000x128xf32, #tpu.memory_space<hbm>> -> memref<1x624x128xf32, #tpu.memory_space<hbm>>
      %dma_start3A_87 = tpu.memref_squeeze %dma_start3A_86 : memref<1x624x128xf32, #tpu.memory_space<hbm>> -> memref<624x128xf32, #tpu.memory_space<hbm>>
      %dma_start3A_88 = arith.constant 0 : i32
      %dma_start3A_89 = tpu.memref_slice %arg9[%mul3A_78, %dma_start3A_88] : memref<10000x128xf32, #tpu.memory_space<vmem_shared>> -> memref<624x128xf32, #tpu.memory_space<vmem_shared>>
      tpu.enqueue_dma source(%dma_start3A_89 : memref<624x128xf32, #tpu.memory_space<vmem_shared>>) target(%dma_start3A_87 : memref<624x128xf32, #tpu.memory_space<hbm>>) target_semaphore(%run_scoped3A_84 : memref<!tpu.dma_semaphore, #tpu.memory_space<semaphore_mem>>)
      %dma_wait3A_90 = arith.constant 0 : i32
      %dma_wait3A_91 = tpu.memref_slice %arg4[%arg0, %mul3A_78, %dma_wait3A_90] : memref<2x10000x128xf32, #tpu.memory_space<hbm>> -> memref<1x624x128xf32, #tpu.memory_space<hbm>>
      %dma_wait3A_92 = tpu.memref_squeeze %dma_wait3A_91 : memref<1x624x128xf32, #tpu.memory_space<hbm>> -> memref<624x128xf32, #tpu.memory_space<hbm>>
      %dma_wait3A_93 = arith.constant 0 : i32
      %dma_wait3A_94 = tpu.memref_slice %arg9[%mul3A_78, %dma_wait3A_93] : memref<10000x128xf32, #tpu.memory_space<vmem_shared>> -> memref<624x128xf32, #tpu.memory_space<vmem_shared>>
      tpu.wait_dma2 semaphore(%run_scoped3A_84 : memref<!tpu.dma_semaphore, #tpu.memory_space<semaphore_mem>>) src(%dma_wait3A_94 : memref<624x128xf32, #tpu.memory_space<vmem_shared>>) dst(%dma_wait3A_92 : memref<624x128xf32, #tpu.memory_space<hbm>>)
      tpu.yield
    }) : () -> ()
    %eq3A_79 = arith.constant 0 : i32
    %eq3A_80 = arith.cmpi eq, %arg1, %eq3A_79 : i32
    %convert_element_type3A_81 = arith.extui %eq3A_80 : i1 to i32
    %cond3A_82 = arith.constant 0 : i32
    %cond3A_83 = arith.cmpi ne, %convert_element_type3A_81, %cond3A_82 : i32
    scf.if %cond3A_83 {
      "tpu.region"() ({
        %run_scoped3A_84 = tpu.sem_alloc : memref<!tpu.dma_semaphore, #tpu.memory_space<semaphore_mem>>
        %dma_start3A_85 = arith.constant 9984 : i32
        %dma_start3A_86 = arith.constant 0 : i32
        %dma_start3A_87 = tpu.memref_slice %arg4[%arg0, %dma_start3A_85, %dma_start3A_86] : memref<2x10000x128xf32, #tpu.memory_space<hbm>> -> memref<1x16x128xf32, #tpu.memory_space<hbm>>
        %dma_start3A_88 = tpu.memref_squeeze %dma_start3A_87 : memref<1x16x128xf32, #tpu.memory_space<hbm>> -> memref<16x128xf32, #tpu.memory_space<hbm>>
        %dma_start3A_89 = arith.constant 9984 : i32
        %dma_start3A_90 = arith.constant 0 : i32
        %dma_start3A_91 = tpu.memref_slice %arg9[%dma_start3A_89, %dma_start3A_90] : memref<10000x128xf32, #tpu.memory_space<vmem_shared>> -> memref<16x128xf32, #tpu.memory_space<vmem_shared>>
        tpu.enqueue_dma source(%dma_start3A_91 : memref<16x128xf32, #tpu.memory_space<vmem_shared>>) target(%dma_start3A_88 : memref<16x128xf32, #tpu.memory_space<hbm>>) target_semaphore(%run_scoped3A_84 : memref<!tpu.dma_semaphore, #tpu.memory_space<semaphore_mem>>)
        %dma_wait3A_92 = arith.constant 9984 : i32
        %dma_wait3A_93 = arith.constant 0 : i32
        %dma_wait3A_94 = tpu.memref_slice %arg4[%arg0, %dma_wait3A_92, %dma_wait3A_93] : memref<2x10000x128xf32, #tpu.memory_space<hbm>> -> memref<1x16x128xf32, #tpu.memory_space<hbm>>
        %dma_wait3A_95 = tpu.memref_squeeze %dma_wait3A_94 : memref<1x16x128xf32, #tpu.memory_space<hbm>> -> memref<16x128xf32, #tpu.memory_space<hbm>>
        %dma_wait3A_96 = arith.constant 9984 : i32
        %dma_wait3A_97 = arith.constant 0 : i32
        %dma_wait3A_98 = tpu.memref_slice %arg9[%dma_wait3A_96, %dma_wait3A_97] : memref<10000x128xf32, #tpu.memory_space<vmem_shared>> -> memref<16x128xf32, #tpu.memory_space<vmem_shared>>
        tpu.wait_dma2 semaphore(%run_scoped3A_84 : memref<!tpu.dma_semaphore, #tpu.memory_space<semaphore_mem>>) src(%dma_wait3A_98 : memref<16x128xf32, #tpu.memory_space<vmem_shared>>) dst(%dma_wait3A_95 : memref<16x128xf32, #tpu.memory_space<hbm>>)
        tpu.yield
      }) : () -> ()
    } else {
    }
    return
  }
}

module attributes {stable_mosaic.version = 14 : i64} {
  func.func @_pre_body(%arg0: i32, %arg1: memref<2000x128xf32, #tpu.memory_space<vmem>>, %arg2: memref<128x128xf32, #tpu.memory_space<vmem>>, %arg3: memref<128x128xf32, #tpu.memory_space<vmem>>, %arg4: memref<2000x128xf32, #tpu.memory_space<vmem>>, %arg5: memref<2000x128xf32, #tpu.memory_space<vmem>>) attributes {dimension_semantics = [#tpu.dimension_semantics<arbitrary>], iteration_bounds = array<i64: 5>, scalar_prefetch = 0 : i64, scratch_operands = 0 : i64, tpu.core_type = #tpu.core_type<tc>, window_params = [{transform_indices = @transform_0, window_bounds = array<i64: 2000, 128>}, {pipeline_mode = #tpu.pipeline_mode<synchronous>, transform_indices = @transform_1, window_bounds = array<i64: 128, 128>}, {pipeline_mode = #tpu.pipeline_mode<synchronous>, transform_indices = @transform_2, window_bounds = array<i64: 128, 128>}, {transform_indices = @transform_3, window_bounds = array<i64: 2000, 128>}, {transform_indices = @transform_4, window_bounds = array<i64: 2000, 128>}]} {
    %get3A = arith.constant 0 : index
    %get3A_0 = arith.constant 0 : index
    %get3A_1 = vector.load %arg1[%get3A, %get3A_0] : memref<2000x128xf32, #tpu.memory_space<vmem>>, vector<2000x128xf32>
    %get3A_2 = arith.constant 0 : index
    %get3A_3 = arith.constant 0 : index
    %get3A_4 = vector.load %arg2[%get3A_2, %get3A_3] : memref<128x128xf32, #tpu.memory_space<vmem>>, vector<128x128xf32>
    %dot_general3A = arith.constant dense<0.000000e+00> : vector<2000x128xf32>
    %dot_general3A_5 = tpu.matmul %get3A_1, %get3A_4, %dot_general3A {dimension_numbers = #tpu.dot_dimension_numbers<[1], [0], [0], [1], [0, 0, 1, 1], [], []>, transpose_lhs_hint = false} : vector<2000x128xf32>, vector<128x128xf32>, vector<2000x128xf32> -> vector<2000x128xf32>
    %swap3A = arith.constant 0 : index
    %swap3A_6 = arith.constant 0 : index
    %swap3A_7 = vector.load %arg4[%swap3A, %swap3A_6] : memref<2000x128xf32, #tpu.memory_space<vmem>>, vector<2000x128xf32>
    tpu.vector_store %arg4[%swap3A, %swap3A_6], %dot_general3A_5 {strides = array<i32>} : memref<2000x128xf32, #tpu.memory_space<vmem>>, vector<2000x128xf32>,
    %get3A_8 = arith.constant 0 : index
    %get3A_9 = arith.constant 0 : index
    %get3A_10 = vector.load %arg3[%get3A_8, %get3A_9] : memref<128x128xf32, #tpu.memory_space<vmem>>, vector<128x128xf32>
    %dot_general3A_11 = arith.constant dense<0.000000e+00> : vector<2000x128xf32>
    %dot_general3A_12 = tpu.matmul %get3A_1, %get3A_10, %dot_general3A_11 {dimension_numbers = #tpu.dot_dimension_numbers<[1], [0], [0], [1], [0, 0, 1, 1], [], []>, transpose_lhs_hint = false} : vector<2000x128xf32>, vector<128x128xf32>, vector<2000x128xf32> -> vector<2000x128xf32>
    %swap3A_13 = arith.constant 0 : index
    %swap3A_14 = arith.constant 0 : index
    %swap3A_15 = vector.load %arg5[%swap3A_13, %swap3A_14] : memref<2000x128xf32, #tpu.memory_space<vmem>>, vector<2000x128xf32>
    tpu.vector_store %arg5[%swap3A_13, %swap3A_14], %dot_general3A_12 {strides = array<i32>} : memref<2000x128xf32, #tpu.memory_space<vmem>>, vector<2000x128xf32>,
    return
  }
  func.func @transform_0(%arg0: i32) -> (i32, i32) {
    %c0_i32 = arith.constant 0 : i32
    %c0_i32_0 = arith.constant 0 : i32
    return %arg0, %c0_i32 : i32, i32
  }
  func.func @transform_1(%arg0: i32) -> (i32, i32) {
    %c0_i32 = arith.constant 0 : i32
    %c0_i32_0 = arith.constant 0 : i32
    %c0_i32_1 = arith.constant 0 : i32
    return %c0_i32, %c0_i32_0 : i32, i32
  }
  func.func @transform_2(%arg0: i32) -> (i32, i32) {
    %c0_i32 = arith.constant 0 : i32
    %c0_i32_0 = arith.constant 0 : i32
    %c0_i32_1 = arith.constant 0 : i32
    return %c0_i32, %c0_i32_0 : i32, i32
  }
  func.func @transform_3(%arg0: i32) -> (i32, i32) {
    %c0_i32 = arith.constant 0 : i32
    %c0_i32_0 = arith.constant 0 : i32
    return %arg0, %c0_i32 : i32, i32
  }
  func.func @transform_4(%arg0: i32) -> (i32, i32) {
    %c0_i32 = arith.constant 0 : i32
    %c0_i32_0 = arith.constant 0 : i32
    return %arg0, %c0_i32 : i32, i32
  }
}

module attributes {stable_mosaic.version = 14 : i64} {
  func.func @_edge_body(%arg0: i32, %arg1: memref<4000x128xf32, #tpu.memory_space<vmem>>, %arg2: memref<4000x128xf32, #tpu.memory_space<vmem>>, %arg3: memref<4000x128xf32, #tpu.memory_space<vmem>>, %arg4: memref<128x128xf32, #tpu.memory_space<vmem>>, %arg5: memref<1x128xf32, #tpu.memory_space<vmem>>, %arg6: memref<128x128xf32, #tpu.memory_space<vmem>>, %arg7: memref<1x128xf32, #tpu.memory_space<vmem>>, %arg8: memref<4000x128xf32, #tpu.memory_space<vmem>>, %arg9: memref<4000x128xf32, #tpu.memory_space<vmem>>) attributes {dimension_semantics = [#tpu.dimension_semantics<arbitrary>], iteration_bounds = array<i64: 80>, scalar_prefetch = 0 : i64, scratch_operands = 0 : i64, tpu.core_type = #tpu.core_type<tc>, window_params = [{transform_indices = @transform_0, window_bounds = array<i64: 4000, 128>}, {transform_indices = @transform_1, window_bounds = array<i64: 4000, 128>}, {transform_indices = @transform_2, window_bounds = array<i64: 4000, 128>}, {pipeline_mode = #tpu.pipeline_mode<synchronous>, transform_indices = @transform_3, window_bounds = array<i64: 128, 128>}, {pipeline_mode = #tpu.pipeline_mode<synchronous>, transform_indices = @transform_4, window_bounds = array<i64: 1, 128>}, {pipeline_mode = #tpu.pipeline_mode<synchronous>, transform_indices = @transform_5, window_bounds = array<i64: 128, 128>}, {pipeline_mode = #tpu.pipeline_mode<synchronous>, transform_indices = @transform_6, window_bounds = array<i64: 1, 128>}, {transform_indices = @transform_7, window_bounds = array<i64: 4000, 128>}, {transform_indices = @transform_8, window_bounds = array<i64: 4000, 128>}]} {
    %get3A = arith.constant 0 : index
    %get3A_0 = arith.constant 0 : index
    %get3A_1 = vector.load %arg1[%get3A, %get3A_0] : memref<4000x128xf32, #tpu.memory_space<vmem>>, vector<4000x128xf32>
    %get3A_2 = arith.constant 0 : index
    %get3A_3 = arith.constant 0 : index
    %get3A_4 = vector.load %arg4[%get3A_2, %get3A_3] : memref<128x128xf32, #tpu.memory_space<vmem>>, vector<128x128xf32>
    %dot_general3A = arith.constant dense<0.000000e+00> : vector<4000x128xf32>
    %dot_general3A_5 = tpu.matmul %get3A_1, %get3A_4, %dot_general3A {dimension_numbers = #tpu.dot_dimension_numbers<[1], [0], [0], [1], [0, 0, 1, 1], [], []>, transpose_lhs_hint = false} : vector<4000x128xf32>, vector<128x128xf32>, vector<4000x128xf32> -> vector<4000x128xf32>
    %get3A_6 = arith.constant 0 : index
    %get3A_7 = arith.constant 0 : index
    %get3A_8 = vector.load %arg2[%get3A_6, %get3A_7] : memref<4000x128xf32, #tpu.memory_space<vmem>>, vector<4000x128xf32>
    %add3A = arith.addf %dot_general3A_5, %get3A_8 : vector<4000x128xf32>
    %get3A_9 = arith.constant 0 : index
    %get3A_10 = arith.constant 0 : index
    %get3A_11 = vector.load %arg3[%get3A_9, %get3A_10] : memref<4000x128xf32, #tpu.memory_space<vmem>>, vector<4000x128xf32>
    %add3A_12 = arith.addf %add3A, %get3A_11 : vector<4000x128xf32>
    %get3A_13 = arith.constant 0 : index
    %get3A_14 = arith.constant 0 : index
    %get3A_15 = vector.load %arg5[%get3A_13, %get3A_14] : memref<1x128xf32, #tpu.memory_space<vmem>>, vector<1x128xf32>
    %add3A_16 = vector.broadcast %get3A_15 : vector<1x128xf32> to vector<4000x128xf32>
    %add3A_17 = arith.addf %add3A_12, %add3A_16 : vector<4000x128xf32>
    %max3A = arith.constant 0.000000e+00 : f32
    %max3A_18 = vector.broadcast %max3A : f32 to vector<4000x128xf32>
    %max3A_19 = arith.maximumf %add3A_17, %max3A_18 : vector<4000x128xf32>
    %get3A_20 = arith.constant 0 : index
    %get3A_21 = arith.constant 0 : index
    %get3A_22 = vector.load %arg6[%get3A_20, %get3A_21] : memref<128x128xf32, #tpu.memory_space<vmem>>, vector<128x128xf32>
    %dot_general3A_23 = arith.constant dense<0.000000e+00> : vector<4000x128xf32>
    %dot_general3A_24 = tpu.matmul %max3A_19, %get3A_22, %dot_general3A_23 {dimension_numbers = #tpu.dot_dimension_numbers<[1], [0], [0], [1], [0, 0, 1, 1], [], []>, transpose_lhs_hint = false} : vector<4000x128xf32>, vector<128x128xf32>, vector<4000x128xf32> -> vector<4000x128xf32>
    %get3A_25 = arith.constant 0 : index
    %get3A_26 = arith.constant 0 : index
    %get3A_27 = vector.load %arg7[%get3A_25, %get3A_26] : memref<1x128xf32, #tpu.memory_space<vmem>>, vector<1x128xf32>
    %add3A_28 = vector.broadcast %get3A_27 : vector<1x128xf32> to vector<4000x128xf32>
    %add3A_29 = arith.addf %dot_general3A_24, %add3A_28 : vector<4000x128xf32>
    %swap3A = arith.constant 0 : index
    %swap3A_30 = arith.constant 0 : index
    %swap3A_31 = vector.load %arg8[%swap3A, %swap3A_30] : memref<4000x128xf32, #tpu.memory_space<vmem>>, vector<4000x128xf32>
    tpu.vector_store %arg8[%swap3A, %swap3A_30], %add3A_29 {strides = array<i32>} : memref<4000x128xf32, #tpu.memory_space<vmem>>, vector<4000x128xf32>,
    %add3A_32 = arith.addf %add3A_29, %get3A_1 : vector<4000x128xf32>
    %swap3A_33 = arith.constant 0 : index
    %swap3A_34 = arith.constant 0 : index
    %swap3A_35 = vector.load %arg9[%swap3A_33, %swap3A_34] : memref<4000x128xf32, #tpu.memory_space<vmem>>, vector<4000x128xf32>
    tpu.vector_store %arg9[%swap3A_33, %swap3A_34], %add3A_32 {strides = array<i32>} : memref<4000x128xf32, #tpu.memory_space<vmem>>, vector<4000x128xf32>,
    return
  }
  func.func @transform_0(%arg0: i32) -> (i32, i32) {
    %c0_i32 = arith.constant 0 : i32
    %c0_i32_0 = arith.constant 0 : i32
    return %arg0, %c0_i32 : i32, i32
  }
  func.func @transform_1(%arg0: i32) -> (i32, i32) {
    %c0_i32 = arith.constant 0 : i32
    %c0_i32_0 = arith.constant 0 : i32
    return %arg0, %c0_i32 : i32, i32
  }
  func.func @transform_2(%arg0: i32) -> (i32, i32) {
    %c0_i32 = arith.constant 0 : i32
    %c0_i32_0 = arith.constant 0 : i32
    return %arg0, %c0_i32 : i32, i32
  }
  func.func @transform_3(%arg0: i32) -> (i32, i32) {
    %c0_i32 = arith.constant 0 : i32
    %c0_i32_0 = arith.constant 0 : i32
    %c0_i32_1 = arith.constant 0 : i32
    return %c0_i32, %c0_i32_0 : i32, i32
  }
  func.func @transform_4(%arg0: i32) -> (i32, i32) {
    %c0_i32 = arith.constant 0 : i32
    %c0_i32_0 = arith.constant 0 : i32
    %c0_i32_1 = arith.constant 0 : i32
    return %c0_i32, %c0_i32_0 : i32, i32
  }
  func.func @transform_5(%arg0: i32) -> (i32, i32) {
    %c0_i32 = arith.constant 0 : i32
    %c0_i32_0 = arith.constant 0 : i32
    %c0_i32_1 = arith.constant 0 : i32
    return %c0_i32, %c0_i32_0 : i32, i32
  }
  func.func @transform_6(%arg0: i32) -> (i32, i32) {
    %c0_i32 = arith.constant 0 : i32
    %c0_i32_0 = arith.constant 0 : i32
    %c0_i32_1 = arith.constant 0 : i32
    return %c0_i32, %c0_i32_0 : i32, i32
  }
  func.func @transform_7(%arg0: i32) -> (i32, i32) {
    %c0_i32 = arith.constant 0 : i32
    %c0_i32_0 = arith.constant 0 : i32
    return %arg0, %c0_i32 : i32, i32
  }
  func.func @transform_8(%arg0: i32) -> (i32, i32) {
    %c0_i32 = arith.constant 0 : i32
    %c0_i32_0 = arith.constant 0 : i32
    return %arg0, %c0_i32 : i32, i32
  }
}

module attributes {stable_mosaic.version = 14 : i64} {
  func.func @_node_body(%arg0: i32, %arg1: memref<2000x128xf32, #tpu.memory_space<vmem>>, %arg2: memref<2000x128xf32, #tpu.memory_space<vmem>>, %arg3: memref<2000x128xf32, #tpu.memory_space<vmem>>, %arg4: memref<128x128xf32, #tpu.memory_space<vmem>>, %arg5: memref<128x128xf32, #tpu.memory_space<vmem>>, %arg6: memref<1x128xf32, #tpu.memory_space<vmem>>, %arg7: memref<128x128xf32, #tpu.memory_space<vmem>>, %arg8: memref<1x128xf32, #tpu.memory_space<vmem>>, %arg9: memref<2000x128xf32, #tpu.memory_space<vmem>>) attributes {dimension_semantics = [#tpu.dimension_semantics<arbitrary>], iteration_bounds = array<i64: 5>, scalar_prefetch = 0 : i64, scratch_operands = 0 : i64, tpu.core_type = #tpu.core_type<tc>, window_params = [{transform_indices = @transform_0, window_bounds = array<i64: 2000, 128>}, {transform_indices = @transform_1, window_bounds = array<i64: 2000, 128>}, {transform_indices = @transform_2, window_bounds = array<i64: 2000, 128>}, {pipeline_mode = #tpu.pipeline_mode<synchronous>, transform_indices = @transform_3, window_bounds = array<i64: 128, 128>}, {pipeline_mode = #tpu.pipeline_mode<synchronous>, transform_indices = @transform_4, window_bounds = array<i64: 128, 128>}, {pipeline_mode = #tpu.pipeline_mode<synchronous>, transform_indices = @transform_5, window_bounds = array<i64: 1, 128>}, {pipeline_mode = #tpu.pipeline_mode<synchronous>, transform_indices = @transform_6, window_bounds = array<i64: 128, 128>}, {pipeline_mode = #tpu.pipeline_mode<synchronous>, transform_indices = @transform_7, window_bounds = array<i64: 1, 128>}, {transform_indices = @transform_8, window_bounds = array<i64: 2000, 128>}]} {
    %get3A = arith.constant 0 : index
    %get3A_0 = arith.constant 0 : index
    %get3A_1 = vector.load %arg1[%get3A, %get3A_0] : memref<2000x128xf32, #tpu.memory_space<vmem>>, vector<2000x128xf32>
    %get3A_2 = arith.constant 0 : index
    %get3A_3 = arith.constant 0 : index
    %get3A_4 = vector.load %arg2[%get3A_2, %get3A_3] : memref<2000x128xf32, #tpu.memory_space<vmem>>, vector<2000x128xf32>
    %get3A_5 = arith.constant 0 : index
    %get3A_6 = arith.constant 0 : index
    %get3A_7 = vector.load %arg3[%get3A_5, %get3A_6] : memref<2000x128xf32, #tpu.memory_space<vmem>>, vector<2000x128xf32>
    %add3A = arith.addf %get3A_4, %get3A_7 : vector<2000x128xf32>
    %get3A_8 = arith.constant 0 : index
    %get3A_9 = arith.constant 0 : index
    %get3A_10 = vector.load %arg4[%get3A_8, %get3A_9] : memref<128x128xf32, #tpu.memory_space<vmem>>, vector<128x128xf32>
    %dot_general3A = arith.constant dense<0.000000e+00> : vector<2000x128xf32>
    %dot_general3A_11 = tpu.matmul %get3A_1, %get3A_10, %dot_general3A {dimension_numbers = #tpu.dot_dimension_numbers<[1], [0], [0], [1], [0, 0, 1, 1], [], []>, transpose_lhs_hint = false} : vector<2000x128xf32>, vector<128x128xf32>, vector<2000x128xf32> -> vector<2000x128xf32>
    %get3A_12 = arith.constant 0 : index
    %get3A_13 = arith.constant 0 : index
    %get3A_14 = vector.load %arg5[%get3A_12, %get3A_13] : memref<128x128xf32, #tpu.memory_space<vmem>>, vector<128x128xf32>
    %dot_general3A_15 = arith.constant dense<0.000000e+00> : vector<2000x128xf32>
    %dot_general3A_16 = tpu.matmul %add3A, %get3A_14, %dot_general3A_15 {dimension_numbers = #tpu.dot_dimension_numbers<[1], [0], [0], [1], [0, 0, 1, 1], [], []>, transpose_lhs_hint = false} : vector<2000x128xf32>, vector<128x128xf32>, vector<2000x128xf32> -> vector<2000x128xf32>
    %add3A_17 = arith.addf %dot_general3A_11, %dot_general3A_16 : vector<2000x128xf32>
    %get3A_18 = arith.constant 0 : index
    %get3A_19 = arith.constant 0 : index
    %get3A_20 = vector.load %arg6[%get3A_18, %get3A_19] : memref<1x128xf32, #tpu.memory_space<vmem>>, vector<1x128xf32>
    %add3A_21 = vector.broadcast %get3A_20 : vector<1x128xf32> to vector<2000x128xf32>
    %add3A_22 = arith.addf %add3A_17, %add3A_21 : vector<2000x128xf32>
    %max3A = arith.constant 0.000000e+00 : f32
    %max3A_23 = vector.broadcast %max3A : f32 to vector<2000x128xf32>
    %max3A_24 = arith.maximumf %add3A_22, %max3A_23 : vector<2000x128xf32>
    %get3A_25 = arith.constant 0 : index
    %get3A_26 = arith.constant 0 : index
    %get3A_27 = vector.load %arg7[%get3A_25, %get3A_26] : memref<128x128xf32, #tpu.memory_space<vmem>>, vector<128x128xf32>
    %dot_general3A_28 = arith.constant dense<0.000000e+00> : vector<2000x128xf32>
    %dot_general3A_29 = tpu.matmul %max3A_24, %get3A_27, %dot_general3A_28 {dimension_numbers = #tpu.dot_dimension_numbers<[1], [0], [0], [1], [0, 0, 1, 1], [], []>, transpose_lhs_hint = false} : vector<2000x128xf32>, vector<128x128xf32>, vector<2000x128xf32> -> vector<2000x128xf32>
    %get3A_30 = arith.constant 0 : index
    %get3A_31 = arith.constant 0 : index
    %get3A_32 = vector.load %arg8[%get3A_30, %get3A_31] : memref<1x128xf32, #tpu.memory_space<vmem>>, vector<1x128xf32>
    %add3A_33 = vector.broadcast %get3A_32 : vector<1x128xf32> to vector<2000x128xf32>
    %add3A_34 = arith.addf %dot_general3A_29, %add3A_33 : vector<2000x128xf32>
    %add3A_35 = arith.addf %add3A_34, %get3A_1 : vector<2000x128xf32>
    %swap3A = arith.constant 0 : index
    %swap3A_36 = arith.constant 0 : index
    %swap3A_37 = vector.load %arg9[%swap3A, %swap3A_36] : memref<2000x128xf32, #tpu.memory_space<vmem>>, vector<2000x128xf32>
    tpu.vector_store %arg9[%swap3A, %swap3A_36], %add3A_35 {strides = array<i32>} : memref<2000x128xf32, #tpu.memory_space<vmem>>, vector<2000x128xf32>,
    return
  }
  func.func @transform_0(%arg0: i32) -> (i32, i32) {
    %c0_i32 = arith.constant 0 : i32
    %c0_i32_0 = arith.constant 0 : i32
    return %arg0, %c0_i32 : i32, i32
  }
  func.func @transform_1(%arg0: i32) -> (i32, i32) {
    %c0_i32 = arith.constant 0 : i32
    %c0_i32_0 = arith.constant 0 : i32
    return %arg0, %c0_i32 : i32, i32
  }
  func.func @transform_2(%arg0: i32) -> (i32, i32) {
    %c0_i32 = arith.constant 0 : i32
    %c0_i32_0 = arith.constant 0 : i32
    return %arg0, %c0_i32 : i32, i32
  }
  func.func @transform_3(%arg0: i32) -> (i32, i32) {
    %c0_i32 = arith.constant 0 : i32
    %c0_i32_0 = arith.constant 0 : i32
    %c0_i32_1 = arith.constant 0 : i32
    return %c0_i32, %c0_i32_0 : i32, i32
  }
  func.func @transform_4(%arg0: i32) -> (i32, i32) {
    %c0_i32 = arith.constant 0 : i32
    %c0_i32_0 = arith.constant 0 : i32
    %c0_i32_1 = arith.constant 0 : i32
    return %c0_i32, %c0_i32_0 : i32, i32
  }
  func.func @transform_5(%arg0: i32) -> (i32, i32) {
    %c0_i32 = arith.constant 0 : i32
    %c0_i32_0 = arith.constant 0 : i32
    %c0_i32_1 = arith.constant 0 : i32
    return %c0_i32, %c0_i32_0 : i32, i32
  }
  func.func @transform_6(%arg0: i32) -> (i32, i32) {
    %c0_i32 = arith.constant 0 : i32
    %c0_i32_0 = arith.constant 0 : i32
    %c0_i32_1 = arith.constant 0 : i32
    return %c0_i32, %c0_i32_0 : i32, i32
  }
  func.func @transform_7(%arg0: i32) -> (i32, i32) {
    %c0_i32 = arith.constant 0 : i32
    %c0_i32_0 = arith.constant 0 : i32
    %c0_i32_1 = arith.constant 0 : i32
    return %c0_i32, %c0_i32_0 : i32, i32
  }
  func.func @transform_8(%arg0: i32) -> (i32, i32) {
    %c0_i32 = arith.constant 0 : i32
    %c0_i32_0 = arith.constant 0 : i32
    return %arg0, %c0_i32 : i32, i32
  }
}

</mosaic_0001>

<sc_bundles>
// kernel: kernel.10.cloned.1.call-start
scs
__scs_entry_jumppad:
0x0: {  	(pc) =	sbr.rel $0x88, $3  }
0x1: {  	(tag) =	ssettag $0x0;
	lr =	simm.s32 $0x1  }
0x2: {  	[smem:$0x3F96] =	sst lr;
	_ =	strace $0xD0000000  }
0x3: {  	_ = 	snop  }
0x4: {  	_ = 	snop  }
0x5: {  	_ = 	snop  }
0x6: {  	_ = 	snop  }
0x7: {  	_ = 	snop  }
__scs_overlays_trampoline_lowered:
0x8: {  	[smem:$0x3FA5] =	sst s0  }
0x9: {  	[smem:$0x3FA6] =	sst s1  }
0xa: {  	[smem:$0x3FA7] =	sst s2  }
0xb: {  	[smem:$0x3FA8] =	sst s3  }
0xc: {  	[smem:$0x3FA9] =	sst s4  }
0xd: {  	[smem:$0x3FAA] =	sst s5  }
0xe: {  	[smem:$0x3FAB] =	sst s6  }
0xf: {  	[smem:$0x3FAC] =	sst s7  }
0x10: {  	[smem:$0x3FAD] =	sst s8  }
0x11: {  	[smem:$0x3FAE] =	sst s9;
	s0 =	simm.s32 @!p0 $0x0  }
0x12: {  	s1 =	sld [smem:$0x3F94];
	s0 =	simm.s32 @p0 $0x1  }
0x13: {  	[smem:$0x3FAF] =	sst s0;
	s0 =	simm.s32 @!p1 $0x0  }
0x14: {  	s2 =	sld [smem:$0x3F93];
	s0 =	simm.s32 @p1 $0x1  }
0x15: {  	[smem:$0x3FB0] =	sst s0;
	s0 =	simm.s32 @!p2 $0x0  }
0x16: {  	s3 =	sld [smem:$0x3FDB];
	s0 =	simm.s32 @p2 $0x1  }
0x17: {  	s4 =	simm.s32 $0x1BF5;
	[smem:$0x3FB2] =	sst s0  }
0x18: {  	s0 =	sld [smem:$0x3F95];
	_ =	swait.ge [sflag:s4], $0x0  }
0x19: {  	s7 =	sld [smem:$0x3F96]  }
0x1a: {  	s8 =	sadd.s32 $0xFFFFE003, lr  }
0x1b: {  	s9 =	sadd.s32 $0xFFFFFEF7, lr;
	s5 =	simm.s32 $0xFFFFFFFF;
	p2 =	slt.u32 s8, $0xFFFFF086  }
0x1c: {  	p1 =	slt.u32 s9, $0xF7A;
	s5 =	simm.s32 @!p2 $0x0  }
0x1d: {  	s5 =	simm.s32 @p1 $0x1;
	p0 =	seq.s32 s7, s2  }
0x1e: {  	s7 =	smul.u32 @!p0 $0xF7A, s2;
	p2 =	seq.s32 @!p0 s5, $0x0  }
0x1f: {  	s9 =	smul.u32 $0xF7A, s1;
	s8 =	simm.s32 @!p0 $0x1BF5;
	p2 =	por !p2, p0  }
0x20: {  	[sflag:s8] =	ssyncset.s32 @!p0 $0xFFFFF086;
	s6 =	sadd.s32 @!p0 s3, s7;
	s7 =	simm.s32 @!p0 $0x108  }
0x21: {  	s3 =	sadd.s32 s3, s9;
	s6 =	sadd.s32 @!p0 $0x88, s6;
	s7 =	simm.s32 @p2 $0x1082  }
0x22: {  	[simem:s7], [sflag:s8] =	dma.local @!p0 [hbm:s6], $0xF7A  }
0x23: {  	s9 =	sor.u32 $0xD0000000, s2;
	s6 =	simm.s32 $0x108;
	_ =	swait.ge @!p0 [sflag:s8], $0x0  }
0x24: {  	s3 =	sadd.s32 $0x88, s3;
	s6 =	simm.s32 @!p1 $0x1082;
	[sflag:s4] =	ssyncset.s32 $0xFFFFF086  }
0x25: {  	[simem:s6], [sflag:s4] =	dma.local [hbm:s3], $0xF7A  }
0x26: {  	[smem:$0x3F96] =	sst s1;
	(tag) =	ssettag s2;
	_ =	strace s9  }
0x27: {  	s1 =	sld [smem:$0x3FA6]  }
0x28: {  	s2 =	sld [smem:$0x3FA7]  }
0x29: {  	s4 =	sld [smem:$0x3FA9]  }
0x2a: {  	p0 =	seq.s32 s5, $0x0;
	s5 =	sld [smem:$0x3FAA]  }
0x2b: {  	s6 =	sld [smem:$0x3FAB]  }
0x2c: {  	s7 =	sld [smem:$0x3FAC]  }
0x2d: {  	s3 =	simm.s32 $0x108;
	s8 =	sld [smem:$0x3FAD]  }
0x2e: {  	s3 =	simm.s32 @!p0 $0x1082;
	s9 =	sld [smem:$0x3FAE]  }
0x2f: {  	lr =	sadd.s32 s0, s3;
	s0 =	sld [smem:$0x3FA5]  }
0x30: {  	s3 =	sld [smem:$0x3FA8]  }
0x31: {  	[smem:$0x3FB1] =	sst s10  }
0x32: {  	s10 =	sld [smem:$0x3FAF];
	_ =	sdelay $0x3  }
0x33: {  	p0 =	seq.s32 s10, $0x1;
	s10 =	sld [smem:$0x3FB1];
	_ =	sdelay $0x3  }
0x34: {  	[smem:$0x3FB1] =	sst s10  }
0x35: {  	s10 =	sld [smem:$0x3FB0];
	_ =	sdelay $0x3  }
0x36: {  	p1 =	seq.s32 s10, $0x1;
	s10 =	sld [smem:$0x3FB1];
	_ =	sdelay $0x3  }
0x37: {  	[smem:$0x3FB1] =	sst s10  }
0x38: {  	s10 =	sld [smem:$0x3FB2]  }
0x39: {  	_ = 	snop;
	(pc) =	sbr.ind lr, $3  }
0x3a: {  	_ = 	snop  }
0x3b: {  	_ = 	snop  }
0x3c: {  	p2 =	seq.s32 s10, $0x1;
	s10 =	sld [smem:$0x3FB1]  }
0x3d: {  	_ =	shalt  }
0x3e: {  	_ =	shalt  }
0x3f: {  	_ =	shalt  }
0x40: {  	_ =	shalt  }
0x41: {  	_ =	shalt  }
0x42: {  	_ =	shalt  }
0x43: {  	_ =	shalt  }
0x44: {  	_ =	shalt  }
0x45: {  	_ =	shalt  }
0x46: {  	_ =	shalt  }
0x47: {  	_ =	shalt  }
0x48: {  	_ =	shalt  }
0x49: {  	_ =	shalt  }
0x4a: {  	_ =	shalt  }
0x4b: {  	_ =	shalt  }
0x4c: {  	_ =	shalt  }
0x4d: {  	_ =	shalt  }
0x4e: {  	_ =	shalt  }
0x4f: {  	_ =	shalt  }
0x50: {  	_ =	shalt  }
0x51: {  	_ =	shalt  }
0x52: {  	_ =	shalt  }
0x53: {  	_ =	shalt  }
0x54: {  	_ =	shalt  }
0x55: {  	_ =	shalt  }
0x56: {  	_ =	shalt  }
0x57: {  	_ =	shalt  }
0x58: {  	_ =	shalt  }
0x59: {  	_ =	shalt  }
0x5a: {  	_ =	shalt  }
0x5b: {  	_ =	shalt  }
0x5c: {  	_ =	shalt  }
0x5d: {  	_ =	shalt  }
0x5e: {  	_ =	shalt  }
0x5f: {  	_ =	shalt  }
0x60: {  	_ =	shalt  }
0x61: {  	_ =	shalt  }
0x62: {  	_ =	shalt  }
0x63: {  	_ =	shalt  }
0x64: {  	_ =	shalt  }
0x65: {  	_ =	shalt  }
0x66: {  	_ =	shalt  }
0x67: {  	_ =	shalt  }
0x68: {  	_ =	shalt  }
0x69: {  	_ =	shalt  }
0x6a: {  	_ =	shalt  }
0x6b: {  	_ =	shalt  }
0x6c: {  	_ =	shalt  }
0x6d: {  	_ =	shalt  }
0x6e: {  	_ =	shalt  }
0x6f: {  	_ =	shalt  }
0x70: {  	_ =	shalt  }
0x71: {  	_ =	shalt  }
0x72: {  	_ =	shalt  }
0x73: {  	_ =	shalt  }
0x74: {  	_ =	shalt  }
0x75: {  	_ =	shalt  }
0x76: {  	_ =	shalt  }
0x77: {  	_ =	shalt  }
0x78: {  	_ =	shalt  }
0x79: {  	_ =	shalt  }
0x7a: {  	_ =	shalt  }
0x7b: {  	_ =	shalt  }
0x7c: {  	_ =	shalt  }
0x7d: {  	_ =	shalt  }
0x7e: {  	_ =	shalt  }
0x7f: {  	_ =	shalt  }
0x80: {  	_ =	shalt  }
0x81: {  	_ =	shalt  }
0x82: {  	_ =	shalt  }
0x83: {  	_ =	shalt  }
0x84: {  	_ =	shalt  }
0x85: {  	_ =	shalt  }
0x86: {  	_ =	shalt  }
0x87: {  	_ =	shalt  }
.Lfunc_end0:
.L_simem_size_0:
called_computation.1_lowered:
.L_overlay_start_0:
0x88: {  	s2 =	sld [smem:$0x3FD9]  }
0x89: {  	s3 =	sld [smem:$0x3FFE];
	_ =	sdelay $0x1  }
0x8a: {  	s1 =	srdreg.scid  }
0x8b: {  	s0 =	sand.u32 $0x1, s1  }
0x8c: {  	s16 =	sshll.u32 s0, $0xA;
	s2 =	sadd.s32 s3, s2  }
0x8d: {  	s2 =	sadd.s32 s2, s16  }
0x8e: {  	[smem:$0x3FBD] =	sst s2  }
0x8f: {  	_ = 	snop  }
0x90: {  	(tm) =	ssettm $0x1  }
0x91: {  	s17 =	sld [smem:$0x3FFB];
	_ =	sdelay $0x3  }
0x92: {  	_ =	strace s17  }
0x93: {  	s2 =	sld [smem:$0x3FFC];
	_ =	sdelay $0x3  }
0x94: {  	_ =	strace s2  }
0x95: {  	s2 =	sld [smem:$0x3FFD];
	_ =	sdelay $0x3  }
0x96: {  	_ =	strace s2  }
0x97: {  	_ =	strace $0x8FFFFFFF  }
0x98: {  	s18 =	sld [smem:$0x3FDB];
	_ =	sdelay $0x1  }
0x99: {  	s19 =	simm.s32 $_scs_section_size  }
0x9a: {  	s4 =	simm.s32 $_size__tile_overlayer_lowered;
	s5 =	simm.s32 $_tile_overlayer_lowered  }
0x9b: {  	s22 =	simm.s32 $0x1BFF;
	s21 =	sshll.u32 s5, $0x1;
	s2 =	sadd.s32 s19, s18  }
0x9c: {  	s6 =	simm.s32 $0x0;
	s20 =	sshll.u32 s4, $0x1;
	s4 =	sadd.s32 s21, s2  }
0x9d: {  	[timem:s6], [sflag:s22] =	dma.local [hbm:s4], s20  }
0x9e: {  	_ =	swait.ge [sflag:s22], s20  }
0x9f: {  	s3 =	ssub.s32 $0x0, s20;
	[sflag:s22] =	ssyncset.done $0x0  }
0xa0: {  	[sflag:s22] =	ssyncadd.s32 s3;
	_ =	sdelay $0x1  }
0xa1: {  	s23 =	simm.s32 $0x1B8B  }
0xa2: {  	_ =	swait.ge [sflag:s23], $0x1  }
0xa3: {  	[sflag:s23] =	ssyncset.done $0x0  }
0xa4: {  	s25 =	simm.s32 $0x1B8E;
	s24 =	sld [smem:$0x3FFE];
	[sflag:s23] =	ssyncadd.s32 $0xFFFFFFFF  }
0xa5: {  	s26 =	simm.s32 $execute0_lowered;
	[smem:$0x3FD2] =	sst s25  }
0xa6: {  	s4 =	sshll.u32 s26, $0x1;
	_ =	strace $0x80000049;
	[dreg:$0x1] =	wrdreg $0xFFFFFFFF  }
0xa7: {  	s28 =	simm.s32 $_size_execute0_lowered;
	s2 =	sadd.s32 s2, s4;
	[dreg:$0x0] =	wrdreg $0x0  }
0xa8: {  	s4 =	sshll.u32 s28, $0x1;
	[dreg:$0x2] =	wrdreg s2  }
0xa9: {  	[dreg:$0x3] =	wrdreg s4  }
0xaa: {  	[dreg:$0x4] =	wrdreg $0xC0  }
0xab: {  	_ =	task [dreg:s6], $0x5FFFF  }
0xac: {  	[dreg:$0x1] =	wrdreg $0xFFFFFFFF  }
0xad: {  	[dreg:$0x0] =	wrdreg $0x60  }
0xae: {  	[dreg:$0x2] =	wrdreg s24  }
0xaf: {  	[dreg:$0x3] =	wrdreg $0xC4000  }
0xb0: {  	[dreg:$0x4] =	wrdreg $0x9  }
0xb1: {  	_ =	task.clear_ibuf [dreg:s6], $0x5FFFF;
	_ =	strace $0x90000049  }
0xb2: {  	s29 =	simm.s32 $0x9;
	_ =	strace $0x8000004B  }
0xb3: {  	_ =	swait.ge [sflag:s29], $0x1  }
0xb4: {  	[sflag:s29] =	ssyncadd.s32 $0xFFFFFFFF  }
0xb5: {  	_ =	strace $0x9000004B  }
0xb6: {  	_ =	sfence  }
0xb7: {  	s30 =	sld [smem:$0x0];
	_ =	sdelay $0x2  }
0xb8: {  	s31 =	sshll.u32 s1, $0xD;
	s1 =	sshrl.u32 s1, $0x2  }
0xb9: {  	s3 =	sand.u32 $0x4000, s31;
	s1 =	sadd.s32 s1, s30  }
0xba: {  	s0 =	sor.u32 s3, s0;
	s1 =	sshll.u32 s1, $0x11  }
0xbb: {  	s0 =	sor.u32 s1, s0  }
0xbc: {  	s0 =	sadd.s32 $0x8F2B, s0  }
0xbd: {  	[sflag:s0] =	ssyncadd.remote.s32 $0x1  }
0xbe: {  	_ =	sfence.sel $0xFFFF  }
0xbf: {  	[dreg:$0x0] =	wrdreg $0xFFFFFFFF;
	(pc) =	sbr.abs _section_cstart, $3  }
0xc0: {  	[dreg:$0x1] =	wrdreg $0xFFFFFFFF  }
0xc1: {  	_ =	task.clear_ibuf [dreg:s6], $0x2FFFF;
	_ =	strace $0x9FFFFFFF  }
0xc2: {  	(tm) =	ssettm $0x7FFFFFFF  }
0xc3: {  	_ =	shalt  }
tec
execute0_lowered:
.L_overlay_start_1:
0x0: {  	(tag) =	ssettag $0x1  }
0x1: {  	s0 =	rddreg [dreg:$0x0]  }
0x2: {  	s1 =	rddreg [dreg:$0x1];
	s3 =	srdreg.scid;
	s2 =	simm.s32 $0x0  }
0x3: {  	s20 =	stileid.u32;
	s21 =	simm.s32 $0x4000;
	s22 =	simm.s32 $0x6800  }
0x4: {  	s23 =	simm.s32 $0x1;
	s24 =	simm.s32 $0x50;
	s25 =	simm.s32 $0x2  }
0x5: {  	s29 =	simm.s32 $0x3E00;
	s30 =	simm.s32 $0x0;
	s5 =	smul.u32 $0x4E000, s20  }
0x6: {  	s3 =	sand.u32 $0x1, s3;
	[smem:$0x7FF] =	sst s2;
	s18 =	smul.u32 $0x13800, s20  }
0x7: {  	s15 =	sadd.s32 $0x9E6A00, s0;
	s19 =	smul.u32 $0x27100, s20;
	p0 =	sne.s32 s20, $0x0  }
0x8: {  	s4 =	sshll.u32 s3, $0x4;
	_ =	strace $0x8000004A;
	s16 =	smul.u32 $0x138800, s3  }
0x9: {  	s6 =	ssub.s32 $0x2, s3;
	s3 =	smul.u32 $0x271000, s3;
	s10 =	sor.u32 s20, s4  }
0xa: {  	s5 =	sshrl.u32 s5, $0x2;
	s7 =	sshrl.u32 s6, $0x1;
	s20 =	simm.s32 $0x3  }
0xb: {  	s4 =	sshll.u32 s10, $0xB;
	s17 =	ssub.s32 s6, s7;
	s12 =	smul.u32 $0x138800, s10  }
0xc: {  	s13 =	smul.u32 $0x27100, s10;
	s10 =	sadd.s32 $0x138000, s1;
	s18 =	sadd.s32 s18, s16  }
0xd: {  	s16 =	sshrl.u32 s16, $0x3;
	s3 =	sadd.s32 s3, s15;
	s11 =	sadd.s32 s4, s0  }
0xe: {  	s4 =	sadd.s32 s5, s1;
	s0 =	sadd.s32 $0x12A00, s0;
	s18 =	sshrl.u32 s18, $0x3  }
0xf: {  	s3 =	sadd.s32 s19, s3;
	s17 =	smax.u32 s17, $0x1;
	s19 =	simm.s32 $0x9000  }
0x10: {  	s5 =	sadd.s32 $0x3400, s4;
	s6 =	sadd.s32 $0x6800, s4;
	s7 =	sadd.s32 $0x9C00, s4  }
0x11: {  	s8 =	sadd.s32 $0xD000, s4;
	s9 =	sadd.s32 $0x10400, s4;
	s12 =	sshrl.u32 s12, $0x3  }
0x12: {  	s11 =	sadd.s32 $0x2A00, s11;
	s3 =	sadd.s32 $0xF00, s3;
	s14 =	sadd.s32 s15, s12  }
0x13: {  	s12 =	sadd.s32 s15, s13;
	s15 =	sadd.s32 s0, s18;
	s0 =	sadd.s32 s0, s16  }
0x14: {  	v0 =	vimm.f32 $0.0e+00;
	s13 =	sadd.s32 $0x500, s14;
	s14 =	sadd.s32 $0x26C00, s14;
	s16 =	sadd.s32 $0x27000, s0  }
.LBB2_1:
0x15: {  	s0 =	simm.s32 $0x0;
	s18 =	simm.s32 $0x200  }
.LBB2_2:
0x16: {  	p1 =	sne.s32 s18, $0xCE00;
	[tilespmem:s0+$0x9070] =	vst v0  }
0x17: {  	[tilespmem:s0+$0x9000] =	vst v0  }
0x18: {  	[tilespmem:s0+$0x9010] =	vst v0  }
.Ltmp0:
0x19: {  	[tilespmem:s0+$0x9020] =	vst v0;
	(pc) =	sbr.rel @p1 .LBB2_2-.Ltmp0, $4  }
0x1a: {  	[tilespmem:s0+$0x9030] =	vst v0  }
0x1b: {  	[tilespmem:s0+$0x9040] =	vst v0  }
0x1c: {  	[tilespmem:s0+$0x9050] =	vst v0  }
0x1d: {  	[tilespmem:s0+$0x9060] =	vst v0;
	s0 =	sshra.s32 s18, $0x2;
	s18 =	sadd.s32 $0x200, s18  }
0x1e: {  	[tilespmem:s0+$0x9070] =	vst v0  }
0x1f: {  	[tilespmem:s0+$0x9000] =	vst v0  }
0x20: {  	[tilespmem:s0+$0x9010] =	vst v0  }
0x21: {  	[tilespmem:s0+$0x9020] =	vst v0  }
0x22: {  	[tilespmem:s0+$0x9030] =	vst v0  }
0x23: {  	[tilespmem:s0+$0x9040] =	vst v0  }
0x24: {  	[tilespmem:s0+$0x9050] =	vst v0  }
0x25: {  	[tilespmem:s0+$0x9060] =	vst v0  }
0x26: {  	[spmem:s4] =	stream.linear.scatter [tilespmem:s19], [sflag:$0x3], $0x3400, $0x38;
	[tilespmem:$0x1FC80] =	vst v63  }
0x27: {  	_ =	swait.ge [sflag:s20], $0x3400  }
0x28: {  	[sflag:s20] =	ssyncset.done $0x0  }
0x29: {  	[sflag:s20] =	ssyncadd.s32 $0xFFFFCC00  }
0x2a: {  	[spmem:s5] =	stream.linear.scatter [tilespmem:s19], [sflag:$0x3], $0x3400, $0x38;
	[tilespmem:$0x1FC80] =	vst v63  }
0x2b: {  	_ =	swait.ge [sflag:s20], $0x3400  }
0x2c: {  	[sflag:s20] =	ssyncset.done $0x0  }
0x2d: {  	[sflag:s20] =	ssyncadd.s32 $0xFFFFCC00  }
0x2e: {  	[spmem:s6] =	stream.linear.scatter [tilespmem:s19], [sflag:$0x3], $0x3400, $0x38;
	[tilespmem:$0x1FC80] =	vst v63  }
0x2f: {  	_ =	swait.ge [sflag:s20], $0x3400  }
0x30: {  	[sflag:s20] =	ssyncset.done $0x0  }
0x31: {  	[sflag:s20] =	ssyncadd.s32 $0xFFFFCC00  }
0x32: {  	[spmem:s7] =	stream.linear.scatter [tilespmem:s19], [sflag:$0x3], $0x3400, $0x38;
	[tilespmem:$0x1FC80] =	vst v63  }
0x33: {  	_ =	swait.ge [sflag:s20], $0x3400  }
0x34: {  	[sflag:s20] =	ssyncset.done $0x0  }
0x35: {  	[sflag:s20] =	ssyncadd.s32 $0xFFFFCC00  }
0x36: {  	[spmem:s8] =	stream.linear.scatter [tilespmem:s19], [sflag:$0x3], $0x3400, $0x38;
	[tilespmem:$0x1FC80] =	vst v63  }
0x37: {  	_ =	swait.ge [sflag:s20], $0x3400  }
0x38: {  	[sflag:s20] =	ssyncset.done $0x0  }
0x39: {  	[sflag:s20] =	ssyncadd.s32 $0xFFFFCC00  }
0x3a: {  	[spmem:s9] =	stream.linear.scatter [tilespmem:s19], [sflag:$0x3], $0x3400, $0x38;
	[tilespmem:$0x1FC80] =	vst v63  }
0x3b: {  	_ =	swait.ge [sflag:s20], $0x3400  }
0x3c: {  	[sflag:s20] =	ssyncset.done $0x0  }
0x3d: {  	s0 =	simm.s32 @!p0 $0x9000;
	[sflag:s20] =	ssyncadd.s32 $0xFFFFCC00  }
0x3e: {  	[spmem:s10] =	stream.linear.scatter @!p0 [tilespmem:s0], [sflag:$0x3], $0x800, $0x38;
	[tilespmem:$0x1FC80] =	vst v63  }
0x3f: {  	s0 =	simm.s32 @!p0 $0x3  }
0x40: {  	_ =	swait.ge @!p0 [sflag:s0], $0x800  }
0x41: {  	[sflag:s0] =	ssyncset.done @!p0 $0x0  }
0x42: {  	[sflag:s0] =	ssyncadd.s32 @!p0 $0xFFFFF800  }
0x43: {  	s28 =	simm.s32 $0x0;
	[bflag:$0x0] =	sbarrier.arrive $0xFFFF  }
0x44: {  	[tilespmem:s28], [sflag:$0x3] =	stream.linear.gather [hbm4b:s11+s28], $0x3E80, $0x38;
	[tilespmem:$0x1FC80] =	vst v63  }
0x45: {  	_ =	swait.ge [sflag:s20], $0x3E80  }
0x46: {  	[sflag:s20] =	ssyncset.done $0x0  }
0x47: {  	[sflag:s20] =	ssyncadd.s32 $0xFFFFC180  }
0x48: {  	[tilespmem:s21], [sflag:$0x1] =	stream.linear.gather [hbm4b:s12+s28], $0x2800, $0x38;
	[tilespmem:$0x1FC80] =	vst v63  }
0x49: {  	_ = 	snop  }
0x4a: {  	[tilespmem:s22], [sflag:$0x2] =	stream.linear.gather [hbm4b:s13+s28], $0x2800, $0x38;
	[tilespmem:$0x1FC80] =	vst v63  }
0x4b: {  	_ =	swait.ge [sflag:s23], $0x2800  }
0x4c: {  	[sflag:s23] =	ssyncset.done $0x0  }
0x4d: {  	s18 =	simm.s32 $0x0;
	[sflag:s23] =	ssyncadd.s32 $0xFFFFD800  }
0x4e: {  	[spmem:s1] =	stream.indirect.scatter.add.f32 [tilespmem:s21], [sflag:$0x3], $0x80, s18, s24, $0xb8;
	[tilespmem:$0x1FC80] =	vst v63  }
0x4f: {  	_ =	swait.ge [sflag:s20], $0x2800  }
0x50: {  	[sflag:s20] =	ssyncset.done $0x0  }
0x51: {  	s26 =	sadd.s32 $0xFFFFFB00, s3;
	[sflag:s20] =	ssyncadd.s32 $0xFFFFD800  }
0x52: {  	[tilespmem:s21], [sflag:$0x1] =	stream.linear.gather [hbm4b:s26+s2], $0x2800, $0x38;
	[tilespmem:$0x1FC80] =	vst v63  }
0x53: {  	_ =	swait.ge [sflag:s25], $0x2800  }
0x54: {  	[sflag:s25] =	ssyncset.done $0x0  }
0x55: {  	s28 =	simm.s32 $0x80;
	[sflag:s25] =	ssyncadd.s32 $0xFFFFD800  }
0x56: {  	[spmem:s1] =	stream.indirect.scatter.add.f32 [tilespmem:s22], [sflag:$0x3], $0x80, s28, s24, $0xb8;
	[tilespmem:$0x1FC80] =	vst v63  }
0x57: {  	_ =	swait.ge [sflag:s20], $0x2800  }
0x58: {  	s31 =	simm.s32 $0x400;
	[sflag:s20] =	ssyncset.done $0x0  }
0x59: {  	s0 =	sadd.s32 $0xA00, s3;
	s18 =	smov.u32 s3;
	[sflag:s20] =	ssyncadd.s32 $0xFFFFD800  }
.LBB2_4:
0x5a: {  	[tilespmem:s22], [sflag:$0x2] =	stream.linear.gather [hbm4b:s18+s2], $0x2800, $0x38;
	[tilespmem:$0x1FC80] =	vst v63  }
0x5b: {  	s26 =	smov.u32 s31;
	s18 =	smov.u32 s0  }
0x5c: {  	p1 =	sne.s32 s31, $0xF000;
	s31 =	sadd.s32 $0x400, s31;
	_ =	swait.ge [sflag:s23], $0x2800  }
0x5d: {  	[sflag:s23] =	ssyncset.done $0x0  }
0x5e: {  	s26 =	sshra.s32 s26, $0x2;
	[sflag:s23] =	ssyncadd.s32 $0xFFFFD800  }
0x5f: {  	[spmem:s1] =	stream.indirect.scatter.add.f32 [tilespmem:s21], [sflag:$0x3], $0x80, s26, s24, $0xb8;
	[tilespmem:$0x1FC80] =	vst v63  }
0x60: {  	_ =	swait.ge [sflag:s20], $0x2800  }
0x61: {  	[sflag:s20] =	ssyncset.done $0x0  }
0x62: {  	s28 =	sadd.s32 $0xFFFFFB00, s0;
	[sflag:s20] =	ssyncadd.s32 $0xFFFFD800  }
0x63: {  	[tilespmem:s21], [sflag:$0x1] =	stream.linear.gather [hbm4b:s28+s2], $0x2800, $0x38;
	[tilespmem:$0x1FC80] =	vst v63  }
0x64: {  	_ =	swait.ge [sflag:s25], $0x2800  }
0x65: {  	[sflag:s25] =	ssyncset.done $0x0  }
.Ltmp1:
0x66: {  	s26 =	sadd.s32 $0x80, s26;
	[sflag:s25] =	ssyncadd.s32 $0xFFFFD800;
	(pc) =	sbr.rel @p1 .LBB2_4-.Ltmp1, $4  }
0x67: {  	[spmem:s1] =	stream.indirect.scatter.add.f32 [tilespmem:s22], [sflag:$0x3], $0x80, s26, s24, $0xb8;
	[tilespmem:$0x1FC80] =	vst v63  }
0x68: {  	_ =	swait.ge [sflag:s20], $0x2800  }
0x69: {  	[sflag:s20] =	ssyncset.done $0x0  }
0x6a: {  	s0 =	sadd.s32 $0xA00, s0;
	[sflag:s20] =	ssyncadd.s32 $0xFFFFD800  }
0x6b: {  	[tilespmem:s22], [sflag:$0x2] =	stream.linear.gather [hbm4b:s18+s2], $0x2800, $0x38;
	[tilespmem:$0x1FC80] =	vst v63  }
0x6c: {  	_ =	swait.ge [sflag:s23], $0x2800  }
0x6d: {  	[sflag:s23] =	ssyncset.done $0x0  }
0x6e: {  	s0 =	simm.s32 $0x3D00;
	[sflag:s23] =	ssyncadd.s32 $0xFFFFD800  }
0x6f: {  	[spmem:s1] =	stream.indirect.scatter.add.f32 [tilespmem:s21], [sflag:$0x3], $0x80, s0, s24, $0xb8;
	[tilespmem:$0x1FC80] =	vst v63  }
0x70: {  	_ =	swait.ge [sflag:s20], $0x2800  }
0x71: {  	[sflag:s20] =	ssyncset.done $0x0  }
0x72: {  	[sflag:s20] =	ssyncadd.s32 $0xFFFFD800  }
0x73: {  	[tilespmem:s21], [sflag:$0x1] =	stream.linear.gather [hbm4b:s14+s2], $0x2800, $0x38;
	[tilespmem:$0x1FC80] =	vst v63  }
0x74: {  	_ =	swait.ge [sflag:s25], $0x2800  }
0x75: {  	[sflag:s25] =	ssyncset.done $0x0  }
0x76: {  	s26 =	simm.s32 $0x3D80;
	[sflag:s25] =	ssyncadd.s32 $0xFFFFD800  }
0x77: {  	[spmem:s1] =	stream.indirect.scatter.add.f32 [tilespmem:s22], [sflag:$0x3], $0x80, s26, s24, $0xb8;
	[tilespmem:$0x1FC80] =	vst v63  }
0x78: {  	_ =	swait.ge [sflag:s20], $0x2800  }
0x79: {  	[sflag:s20] =	ssyncset.done $0x0  }
0x7a: {  	[sflag:s20] =	ssyncadd.s32 $0xFFFFD800  }
0x7b: {  	_ =	swait.ge [sflag:s23], $0x2800  }
0x7c: {  	[sflag:s23] =	ssyncset.done $0x0  }
0x7d: {  	[sflag:s23] =	ssyncadd.s32 $0xFFFFD800  }
0x7e: {  	[spmem:s1] =	stream.indirect.scatter.add.f32 [tilespmem:s21], [sflag:$0x3], $0x80, s29, s24, $0xb8;
	[tilespmem:$0x1FC80] =	vst v63  }
0x7f: {  	_ =	swait.ge [sflag:s20], $0x2800  }
0x80: {  	s28 =	stileid.u32;
	[sflag:s20] =	ssyncset.done $0x0  }
0x81: {  	s0 =	sshll.u32 s28, $0x6;
	[sflag:s20] =	ssyncadd.s32 $0xFFFFD800  }
0x82: {  	s31 =	sshrl.u32 s4, $0x3;
	s0 =	sor.u32 $0x1C03, s0;
	[bflag:$0x0] =	sbarrier.arrive $0xFFFF  }
0x83: {  	[hbm:s15], [sflag:s0] =	dma.local [spmem:s31], $0x2700  }
0x84: {  	_ =	swait.ge [sflag:s20], $0x2700  }
0x85: {  	s30 =	sadd.s32 $0x1, s30;
	[sflag:s20] =	ssyncset.done $0x0  }
0x86: {  	s18 =	sshrl.u32 @!p0 s10, $0x3;
	p1 =	sne.s32 s30, s17;
	[sflag:s20] =	ssyncadd.s32 $0xFFFFD900  }
0x87: {  	[hbm:s16], [sflag:s0] =	dma.local @!p0 [spmem:s18], $0x100  }
.Ltmp2:
0x88: {  	_ = 	snop;
	(pc) =	sbr.rel @p1 .LBB2_1-.Ltmp2, $4  }
0x89: {  	s0 =	simm.s32 @!p0 $0x3  }
0x8a: {  	_ =	swait.ge @!p0 [sflag:s0], $0x100  }
0x8b: {  	[sflag:s0] =	ssyncset.done @!p0 $0x0  }
0x8c: {  	[sflag:s0] =	ssyncadd.s32 @!p0 $0xFFFFFF00  }
0x8d: {  	_ =	sfence.sel $0x180000  }
0x8e: {  	[bflag:$0x0] =	sbarrier.arrive $0xFFFF  }
0x8f: {  	_ =	strace $0x9000004A  }
0x90: {  	[bflag:$0x2] =	sbarrier.arrive $0xFFFF  }
0x91: {  	s0 =	rddreg [dreg:$0x2]  }
0x92: {  	s0 =	sadd.s32 @!p0 $0x100000, s0  }
0x93: {  	[sflag:s0] =	ssyncadd.tile.s32 @!p0 $0x1;
	_ =	shalt  }
.Lfunc_end2:
_tile_overlayer_lowered:
.L_overlay_start_2:
0x94: {  	(tag) =	ssettag $0x2  }
0x95: {  	s0 =	rddreg [dreg:$0x0];
	s2 =	stileid.u32  }
0x96: {  	s1 =	rddreg [dreg:$0x1];
	p0 =	sne.s32 s2, $0x0  }
0x97: {  	s3 =	rddreg [dreg:$0x2];
	[bflag:$0x3] =	sbarrier.arrive $0xFFFF;
	s2 =	simm.s32 @!p0 $0x1C03  }
0x98: {  	[timem:s3], [sflag:s2] =	dma.local @!p0 [hbm:s0], s1  }
0x99: {  	s0 =	simm.s32 @!p0 $0x3  }
0x9a: {  	_ =	swait.ge @!p0 [sflag:s0], s1  }
0x9b: {  	s1 =	ssub.s32 @!p0 $0x0, s1;
	[sflag:s0] =	ssyncset.done @!p0 $0x0  }
0x9c: {  	[sflag:s0] =	ssyncadd.s32 @!p0 s1  }
0x9d: {  	[bflag:$0x3] =	sbarrier.arrive $0xFFFF  }
0x9e: {  	_ =	shalt  }

// kernel: kernel.7.cloned.1.call-start
scs
__scs_entry_jumppad:
0x0: {  	(pc) =	sbr.rel $0x88, $3  }
0x1: {  	(tag) =	ssettag $0x0;
	lr =	simm.s32 $0x1  }
0x2: {  	[smem:$0x3F96] =	sst lr;
	_ =	strace $0xD0000000  }
0x3: {  	_ = 	snop  }
0x4: {  	_ = 	snop  }
0x5: {  	_ = 	snop  }
0x6: {  	_ = 	snop  }
0x7: {  	_ = 	snop  }
__scs_overlays_trampoline_lowered:
0x8: {  	[smem:$0x3FA5] =	sst s0  }
0x9: {  	[smem:$0x3FA6] =	sst s1  }
0xa: {  	[smem:$0x3FA7] =	sst s2  }
0xb: {  	[smem:$0x3FA8] =	sst s3  }
0xc: {  	[smem:$0x3FA9] =	sst s4  }
0xd: {  	[smem:$0x3FAA] =	sst s5  }
0xe: {  	[smem:$0x3FAB] =	sst s6  }
0xf: {  	[smem:$0x3FAC] =	sst s7  }
0x10: {  	[smem:$0x3FAD] =	sst s8  }
0x11: {  	[smem:$0x3FAE] =	sst s9;
	s0 =	simm.s32 @!p0 $0x0  }
0x12: {  	s1 =	sld [smem:$0x3F94];
	s0 =	simm.s32 @p0 $0x1  }
0x13: {  	[smem:$0x3FAF] =	sst s0;
	s0 =	simm.s32 @!p1 $0x0  }
0x14: {  	s2 =	sld [smem:$0x3F93];
	s0 =	simm.s32 @p1 $0x1  }
0x15: {  	[smem:$0x3FB0] =	sst s0;
	s0 =	simm.s32 @!p2 $0x0  }
0x16: {  	s3 =	sld [smem:$0x3FDB];
	s0 =	simm.s32 @p2 $0x1  }
0x17: {  	s4 =	simm.s32 $0x1BF5;
	[smem:$0x3FB2] =	sst s0  }
0x18: {  	s0 =	sld [smem:$0x3F95];
	_ =	swait.ge [sflag:s4], $0x0  }
0x19: {  	s7 =	sld [smem:$0x3F96]  }
0x1a: {  	s8 =	sadd.s32 $0xFFFFE003, lr  }
0x1b: {  	s9 =	sadd.s32 $0xFFFFFEF7, lr;
	s5 =	simm.s32 $0xFFFFFFFF;
	p2 =	slt.u32 s8, $0xFFFFF086  }
0x1c: {  	p1 =	slt.u32 s9, $0xF7A;
	s5 =	simm.s32 @!p2 $0x0  }
0x1d: {  	s5 =	simm.s32 @p1 $0x1;
	p0 =	seq.s32 s7, s2  }
0x1e: {  	s7 =	smul.u32 @!p0 $0xF7A, s2;
	p2 =	seq.s32 @!p0 s5, $0x0  }
0x1f: {  	s9 =	smul.u32 $0xF7A, s1;
	s8 =	simm.s32 @!p0 $0x1BF5;
	p2 =	por !p2, p0  }
0x20: {  	[sflag:s8] =	ssyncset.s32 @!p0 $0xFFFFF086;
	s6 =	sadd.s32 @!p0 s3, s7;
	s7 =	simm.s32 @!p0 $0x108  }
0x21: {  	s3 =	sadd.s32 s3, s9;
	s6 =	sadd.s32 @!p0 $0x88, s6;
	s7 =	simm.s32 @p2 $0x1082  }
0x22: {  	[simem:s7], [sflag:s8] =	dma.local @!p0 [hbm:s6], $0xF7A  }
0x23: {  	s9 =	sor.u32 $0xD0000000, s2;
	s6 =	simm.s32 $0x108;
	_ =	swait.ge @!p0 [sflag:s8], $0x0  }
0x24: {  	s3 =	sadd.s32 $0x88, s3;
	s6 =	simm.s32 @!p1 $0x1082;
	[sflag:s4] =	ssyncset.s32 $0xFFFFF086  }
0x25: {  	[simem:s6], [sflag:s4] =	dma.local [hbm:s3], $0xF7A  }
0x26: {  	[smem:$0x3F96] =	sst s1;
	(tag) =	ssettag s2;
	_ =	strace s9  }
0x27: {  	s1 =	sld [smem:$0x3FA6]  }
0x28: {  	s2 =	sld [smem:$0x3FA7]  }
0x29: {  	s4 =	sld [smem:$0x3FA9]  }
0x2a: {  	p0 =	seq.s32 s5, $0x0;
	s5 =	sld [smem:$0x3FAA]  }
0x2b: {  	s6 =	sld [smem:$0x3FAB]  }
0x2c: {  	s7 =	sld [smem:$0x3FAC]  }
0x2d: {  	s3 =	simm.s32 $0x108;
	s8 =	sld [smem:$0x3FAD]  }
0x2e: {  	s3 =	simm.s32 @!p0 $0x1082;
	s9 =	sld [smem:$0x3FAE]  }
0x2f: {  	lr =	sadd.s32 s0, s3;
	s0 =	sld [smem:$0x3FA5]  }
0x30: {  	s3 =	sld [smem:$0x3FA8]  }
0x31: {  	[smem:$0x3FB1] =	sst s10  }
0x32: {  	s10 =	sld [smem:$0x3FAF];
	_ =	sdelay $0x3  }
0x33: {  	p0 =	seq.s32 s10, $0x1;
	s10 =	sld [smem:$0x3FB1];
	_ =	sdelay $0x3  }
0x34: {  	[smem:$0x3FB1] =	sst s10  }
0x35: {  	s10 =	sld [smem:$0x3FB0];
	_ =	sdelay $0x3  }
0x36: {  	p1 =	seq.s32 s10, $0x1;
	s10 =	sld [smem:$0x3FB1];
	_ =	sdelay $0x3  }
0x37: {  	[smem:$0x3FB1] =	sst s10  }
0x38: {  	s10 =	sld [smem:$0x3FB2]  }
0x39: {  	_ = 	snop;
	(pc) =	sbr.ind lr, $3  }
0x3a: {  	_ = 	snop  }
0x3b: {  	_ = 	snop  }
0x3c: {  	p2 =	seq.s32 s10, $0x1;
	s10 =	sld [smem:$0x3FB1]  }
0x3d: {  	_ =	shalt  }
0x3e: {  	_ =	shalt  }
0x3f: {  	_ =	shalt  }
0x40: {  	_ =	shalt  }
0x41: {  	_ =	shalt  }
0x42: {  	_ =	shalt  }
0x43: {  	_ =	shalt  }
0x44: {  	_ =	shalt  }
0x45: {  	_ =	shalt  }
0x46: {  	_ =	shalt  }
0x47: {  	_ =	shalt  }
0x48: {  	_ =	shalt  }
0x49: {  	_ =	shalt  }
0x4a: {  	_ =	shalt  }
0x4b: {  	_ =	shalt  }
0x4c: {  	_ =	shalt  }
0x4d: {  	_ =	shalt  }
0x4e: {  	_ =	shalt  }
0x4f: {  	_ =	shalt  }
0x50: {  	_ =	shalt  }
0x51: {  	_ =	shalt  }
0x52: {  	_ =	shalt  }
0x53: {  	_ =	shalt  }
0x54: {  	_ =	shalt  }
0x55: {  	_ =	shalt  }
0x56: {  	_ =	shalt  }
0x57: {  	_ =	shalt  }
0x58: {  	_ =	shalt  }
0x59: {  	_ =	shalt  }
0x5a: {  	_ =	shalt  }
0x5b: {  	_ =	shalt  }
0x5c: {  	_ =	shalt  }
0x5d: {  	_ =	shalt  }
0x5e: {  	_ =	shalt  }
0x5f: {  	_ =	shalt  }
0x60: {  	_ =	shalt  }
0x61: {  	_ =	shalt  }
0x62: {  	_ =	shalt  }
0x63: {  	_ =	shalt  }
0x64: {  	_ =	shalt  }
0x65: {  	_ =	shalt  }
0x66: {  	_ =	shalt  }
0x67: {  	_ =	shalt  }
0x68: {  	_ =	shalt  }
0x69: {  	_ =	shalt  }
0x6a: {  	_ =	shalt  }
0x6b: {  	_ =	shalt  }
0x6c: {  	_ =	shalt  }
0x6d: {  	_ =	shalt  }
0x6e: {  	_ =	shalt  }
0x6f: {  	_ =	shalt  }
0x70: {  	_ =	shalt  }
0x71: {  	_ =	shalt  }
0x72: {  	_ =	shalt  }
0x73: {  	_ =	shalt  }
0x74: {  	_ =	shalt  }
0x75: {  	_ =	shalt  }
0x76: {  	_ =	shalt  }
0x77: {  	_ =	shalt  }
0x78: {  	_ =	shalt  }
0x79: {  	_ =	shalt  }
0x7a: {  	_ =	shalt  }
0x7b: {  	_ =	shalt  }
0x7c: {  	_ =	shalt  }
0x7d: {  	_ =	shalt  }
0x7e: {  	_ =	shalt  }
0x7f: {  	_ =	shalt  }
0x80: {  	_ =	shalt  }
0x81: {  	_ =	shalt  }
0x82: {  	_ =	shalt  }
0x83: {  	_ =	shalt  }
0x84: {  	_ =	shalt  }
0x85: {  	_ =	shalt  }
0x86: {  	_ =	shalt  }
0x87: {  	_ =	shalt  }
.Lfunc_end0:
.L_simem_size_0:
called_computation_lowered:
.L_overlay_start_0:
0x88: {  	s2 =	sld [smem:$0x3FD9]  }
0x89: {  	s3 =	sld [smem:$0x3FFE];
	_ =	sdelay $0x1  }
0x8a: {  	s1 =	srdreg.scid  }
0x8b: {  	s0 =	sand.u32 $0x1, s1  }
0x8c: {  	s14 =	sshll.u32 s0, $0xA;
	s2 =	sadd.s32 s3, s2  }
0x8d: {  	s2 =	sadd.s32 s2, s14  }
0x8e: {  	[smem:$0x3FBD] =	sst s2  }
0x8f: {  	_ = 	snop  }
0x90: {  	s2 =	sld [smem:$0x3FD0];
	_ =	sdelay $0x2  }
0x91: {  	s15 =	simm.s32 $0xA;
	s4 =	simm.s32 $0x10  }
0x92: {  	[smem:s4], [sflag:s15] =	dma.local [hbm:s2], $0x1  }
0x93: {  	_ =	swait.eq [sflag:s15], $0x1  }
0x94: {  	[sflag:s15] =	ssyncset.done $0x0  }
0x95: {  	s16 =	sld [smem:$0x10];
	[sflag:s15] =	ssyncadd.s32 $0xFFFFFFFF  }
0x96: {  	s17 =	sld [smem:$0x11];
	(tm) =	ssettm $0x1  }
0x97: {  	s18 =	sld [smem:$0x3FFB];
	_ =	sdelay $0x3  }
0x98: {  	_ =	strace s18  }
0x99: {  	s4 =	sld [smem:$0x3FFC];
	_ =	sdelay $0x3  }
0x9a: {  	_ =	strace s4  }
0x9b: {  	s4 =	sld [smem:$0x3FFD];
	_ =	sdelay $0x3  }
0x9c: {  	_ =	strace s4  }
0x9d: {  	_ =	strace $0x8FFFFFFF  }
0x9e: {  	s19 =	sld [smem:$0x3FDB];
	_ =	sdelay $0x1  }
0x9f: {  	s5 =	simm.s32 $_scs_section_size  }
0xa0: {  	s6 =	simm.s32 $_size__tile_overlayer_lowered;
	s7 =	simm.s32 $_tile_overlayer_lowered  }
0xa1: {  	s22 =	simm.s32 $0x1BFF;
	s21 =	sshll.u32 s7, $0x1;
	s4 =	sadd.s32 s5, s19  }
0xa2: {  	s8 =	simm.s32 $0x0;
	s20 =	sshll.u32 s6, $0x1;
	s6 =	sadd.s32 s21, s4  }
0xa3: {  	[timem:s8], [sflag:s22] =	dma.local [hbm:s6], s20  }
0xa4: {  	_ =	swait.ge [sflag:s22], s20  }
0xa5: {  	s5 =	ssub.s32 $0x0, s20;
	[sflag:s22] =	ssyncset.done $0x0  }
0xa6: {  	[sflag:s22] =	ssyncadd.s32 s5;
	_ =	sdelay $0x1  }
0xa7: {  	s23 =	simm.s32 $0x1B8B  }
0xa8: {  	_ =	swait.ge [sflag:s23], $0x1  }
0xa9: {  	[sflag:s23] =	ssyncset.done $0x0  }
0xaa: {  	s25 =	simm.s32 $0x1B8E;
	s24 =	sld [smem:$0x3FFE];
	[sflag:s23] =	ssyncadd.s32 $0xFFFFFFFF  }
0xab: {  	s26 =	simm.s32 $execute0_lowered;
	[smem:$0x3FD2] =	sst s25  }
0xac: {  	s6 =	sshll.u32 s26, $0x1;
	_ =	strace $0x80000046;
	[dreg:$0x1] =	wrdreg $0xFFFFFFFF  }
0xad: {  	s28 =	simm.s32 $_size_execute0_lowered;
	s4 =	sadd.s32 s4, s6;
	[dreg:$0x0] =	wrdreg $0x0  }
0xae: {  	s6 =	sshll.u32 s28, $0x1;
	[dreg:$0x2] =	wrdreg s4  }
0xaf: {  	[dreg:$0x3] =	wrdreg s6  }
0xb0: {  	[dreg:$0x4] =	wrdreg $0xC0  }
0xb1: {  	_ =	task [dreg:s8], $0x5FFFF  }
0xb2: {  	[dreg:$0x1] =	wrdreg $0xFFFFFFFF  }
0xb3: {  	[dreg:$0x0] =	wrdreg $0x60  }
0xb4: {  	[dreg:$0x2] =	wrdreg s16  }
0xb5: {  	[dreg:$0x3] =	wrdreg s17  }
0xb6: {  	[dreg:$0x4] =	wrdreg s24  }
0xb7: {  	[dreg:$0x5] =	wrdreg $0x9  }
0xb8: {  	_ =	task.clear_ibuf [dreg:s8], $0x6FFFF;
	_ =	strace $0x90000046  }
0xb9: {  	s29 =	simm.s32 $0x9;
	_ =	strace $0x80000048  }
0xba: {  	_ =	swait.ge [sflag:s29], $0x1  }
0xbb: {  	[sflag:s29] =	ssyncadd.s32 $0xFFFFFFFF  }
0xbc: {  	_ =	strace $0x90000048  }
0xbd: {  	_ =	sfence  }
0xbe: {  	s30 =	sld [smem:$0x0];
	_ =	sdelay $0x2  }
0xbf: {  	s31 =	sshll.u32 s1, $0xD;
	s1 =	sshrl.u32 s1, $0x2  }
0xc0: {  	s3 =	sand.u32 $0x4000, s31;
	s1 =	sadd.s32 s1, s30  }
0xc1: {  	s0 =	sor.u32 s3, s0;
	s1 =	sshll.u32 s1, $0x11  }
0xc2: {  	s0 =	sor.u32 s1, s0  }
0xc3: {  	s0 =	sadd.s32 $0x8F2B, s0  }
0xc4: {  	[sflag:s0] =	ssyncadd.remote.s32 $0x1  }
0xc5: {  	_ =	sfence.sel $0xFFFF  }
0xc6: {  	[dreg:$0x0] =	wrdreg $0xFFFFFFFF;
	(pc) =	sbr.abs _section_cstart, $3  }
0xc7: {  	[dreg:$0x1] =	wrdreg $0xFFFFFFFF  }
0xc8: {  	_ =	task.clear_ibuf [dreg:s8], $0x2FFFF;
	_ =	strace $0x9FFFFFFF  }
0xc9: {  	(tm) =	ssettm $0x7FFFFFFF  }
tec
execute0_lowered:
.L_overlay_start_1:
0x0: {  	(tag) =	ssettag $0x1  }
0x1: {  	s0 =	rddreg [dreg:$0x0]  }
0x2: {  	s1 =	srdreg.scid;
	s3 =	rddreg [dreg:$0x1]  }
0x3: {  	s2 =	rddreg [dreg:$0x2];
	s10 =	stileid.u32;
	s4 =	simm.s32 $0x0  }
0x4: {  	s16 =	simm.s32 $0x9;
	s17 =	simm.s32 $0x4000;
	s18 =	simm.s32 $0x50  }
0x5: {  	s19 =	simm.s32 $0x8000;
	s20 =	simm.s32 $0xD000;
	s28 =	simm.s32 $0x2  }
0x6: {  	s29 =	simm.s32 $0x4;
	s30 =	simm.s32 $0x5;
	s31 =	simm.s32 $0x7  }
0x7: {  	s1 =	sand.u32 $0x1, s1;
	[smem:$0x7FF] =	sst s4;
	s12 =	sadd.s32 $0x22A00, s2  }
0x8: {  	s15 =	smul.u32 $0x27100, s10;
	s5 =	sshll.u32 s1, $0x4;
	_ =	strace $0x80000047  }
0x9: {  	s7 =	ssub.s32 $0x2, s1;
	s1 =	smul.u32 $0x271000, s1;
	s5 =	sor.u32 s10, s5  }
0xa: {  	s8 =	sshrl.u32 s7, $0x1;
	s6 =	sshll.u32 s5, $0xB;
	s5 =	smul.u32 $0x138800, s5  }
0xb: {  	s7 =	ssub.s32 s7, s8;
	s25 =	sadd.s32 s1, s12;
	s6 =	sadd.s32 s6, s2  }
0xc: {  	s2 =	sadd.s32 $0x504A00, s2;
	s26 =	sadd.s32 s15, s25;
	s13 =	smax.u32 s7, $0x1  }
0xd: {  	s25 =	simm.s32 $0x1;
	s5 =	sshrl.u32 s5, $0x3;
	s9 =	sadd.s32 $0x12A00, s6  }
0xe: {  	s6 =	sadd.s32 $0x2A00, s6;
	s1 =	sadd.s32 s1, s2;
	s14 =	sadd.s32 $0x500, s26  }
0xf: {  	s26 =	simm.s32 $0x3;
	s21 =	sadd.s32 $0x26200, s5;
	[dreg:$0x4] =	wrdreg s9  }
0x10: {  	[dreg:$0x5] =	wrdreg s6;
	s24 =	sadd.s32 $0x26700, s5;
	s5 =	sadd.s32 $0x26C00, s5  }
0x11: {  	s1 =	sadd.s32 s15, s1;
	s22 =	sadd.s32 s12, s21;
	s23 =	sadd.s32 s2, s21  }
0x12: {  	s9 =	sadd.s32 s12, s24;
	s10 =	sadd.s32 s2, s24;
	s11 =	sadd.s32 s12, s5  }
0x13: {  	s12 =	sadd.s32 s2, s5;
	s15 =	sadd.s32 $0x500, s1;
	s24 =	simm.s32 $0xF800  }
0x14: {  	s1 =	simm.s32 $0x6;
	s2 =	simm.s32 $0x8;
	[dreg:$0x6] =	wrdreg s22  }
0x15: {  	s21 =	simm.s32 $0x0;
	[dreg:$0x7] =	wrdreg s23;
	s22 =	simm.s32 $0xA800  }
.LBB2_1:
0x16: {  	s5 =	rddreg [dreg:$0x4]  }
0x17: {  	[tilespmem:s4], [sflag:$0x9] =	stream.linear.gather [hbm4b:s5+s4], $0x3E80, $0x38;
	[tilespmem:$0x12000] =	vst v63  }
0x18: {  	_ =	swait.ge [sflag:s16], $0x3E80  }
0x19: {  	[sflag:s16] =	ssyncset.done $0x0  }
0x1a: {  	s6 =	rddreg [dreg:$0x5];
	[sflag:s16] =	ssyncadd.s32 $0xFFFFC180  }
0x1b: {  	[tilespmem:s17], [sflag:$0x9] =	stream.linear.gather [hbm4b:s6+s4], $0x3E80, $0x38;
	[tilespmem:$0x12000] =	vst v63  }
0x1c: {  	_ =	swait.ge [sflag:s16], $0x3E80  }
0x1d: {  	[sflag:s16] =	ssyncset.done $0x0  }
0x1e: {  	[sflag:s16] =	ssyncadd.s32 $0xFFFFC180  }
0x1f: {  	[tilespmem:s19], [sflag:$0x1] =	stream.indirect.gather [hbm4b:s0+s18], $0x80, s4, s18, $0xb8;
	[tilespmem:$0x12000] =	vst v63  }
0x20: {  	_ = 	snop  }
0x21: {  	[tilespmem:s20], [sflag:$0x3] =	stream.indirect.gather [hbm4b:s3+s18], $0x80, s17, s18, $0xb8;
	[tilespmem:$0x12000] =	vst v63  }
0x22: {  	s7 =	simm.s32 $0x80  }
0x23: {  	[tilespmem:s22], [sflag:$0x2] =	stream.indirect.gather [hbm4b:s0+s18], $0x80, s7, s18, $0xb8;
	[tilespmem:$0x12000] =	vst v63  }
0x24: {  	s8 =	simm.s32 $0x4080  }
0x25: {  	[tilespmem:s24], [sflag:$0x4] =	stream.indirect.gather [hbm4b:s3+s18], $0x80, s8, s18, $0xb8;
	[tilespmem:$0x12000] =	vst v63  }
0x26: {  	_ =	swait.ge [sflag:s25], $0x2800  }
0x27: {  	[sflag:s25] =	ssyncset.done $0x0  }
0x28: {  	[sflag:s25] =	ssyncadd.s32 $0xFFFFD800  }
0x29: {  	_ =	swait.ge [sflag:s26], $0x2800  }
0x2a: {  	[sflag:s26] =	ssyncset.done $0x0  }
0x2b: {  	s23 =	sadd.s32 $0xFFFFFB00, s14;
	[sflag:s26] =	ssyncadd.s32 $0xFFFFD800  }
0x2c: {  	[hbm4b:s23+s4] =	stream.linear.scatter [tilespmem:s19], [sflag:$0x5], $0x2800, $0x38;
	[tilespmem:$0x12000] =	vst v63  }
0x2d: {  	s6 =	sadd.s32 $0xFFFFFB00, s15  }
0x2e: {  	[hbm4b:s6+s4] =	stream.linear.scatter [tilespmem:s20], [sflag:$0x7], $0x2800, $0x38;
	[tilespmem:$0x12000] =	vst v63  }
0x2f: {  	_ =	swait.ge [sflag:s28], $0x2800  }
0x30: {  	[sflag:s28] =	ssyncset.done $0x0  }
0x31: {  	[sflag:s28] =	ssyncadd.s32 $0xFFFFD800  }
0x32: {  	_ =	swait.ge [sflag:s29], $0x2800  }
0x33: {  	[sflag:s29] =	ssyncset.done $0x0  }
0x34: {  	[sflag:s29] =	ssyncadd.s32 $0xFFFFD800  }
0x35: {  	[hbm4b:s14+s4] =	stream.linear.scatter [tilespmem:s22], [sflag:$0x6], $0x2800, $0x38;
	[tilespmem:$0x12000] =	vst v63  }
0x36: {  	_ = 	snop  }
0x37: {  	[hbm4b:s15+s4] =	stream.linear.scatter [tilespmem:s24], [sflag:$0x8], $0x2800, $0x38;
	[tilespmem:$0x12000] =	vst v63  }
0x38: {  	_ =	swait.ge [sflag:s30], $0x2800  }
0x39: {  	[sflag:s30] =	ssyncset.done $0x0  }
0x3a: {  	[sflag:s30] =	ssyncadd.s32 $0xFFFFD800  }
0x3b: {  	_ =	swait.ge [sflag:s31], $0x2800  }
0x3c: {  	[sflag:s31] =	ssyncset.done $0x0  }
0x3d: {  	s7 =	simm.s32 $0x100;
	[sflag:s31] =	ssyncadd.s32 $0xFFFFD800  }
0x3e: {  	[tilespmem:s19], [sflag:$0x1] =	stream.indirect.gather [hbm4b:s0+s18], $0x80, s7, s18, $0xb8;
	[tilespmem:$0x12000] =	vst v63  }
0x3f: {  	s8 =	simm.s32 $0x4100  }
0x40: {  	[tilespmem:s20], [sflag:$0x3] =	stream.indirect.gather [hbm4b:s3+s18], $0x80, s8, s18, $0xb8;
	[tilespmem:$0x12000] =	vst v63  }
0x41: {  	_ =	swait.ge [sflag:s1], $0x2800  }
0x42: {  	[sflag:s1] =	ssyncset.done $0x0  }
0x43: {  	[sflag:s1] =	ssyncadd.s32 $0xFFFFD800  }
0x44: {  	_ =	swait.ge [sflag:s2], $0x2800  }
0x45: {  	[sflag:s2] =	ssyncset.done $0x0  }
0x46: {  	s5 =	sadd.s32 $0xA00, s14;
	s23 =	simm.s32 $0x180;
	[sflag:s2] =	ssyncadd.s32 $0xFFFFD800  }
0x47: {  	[tilespmem:s22], [sflag:$0x2] =	stream.indirect.gather [hbm4b:s0+s18], $0x80, s23, s18, $0xb8;
	[tilespmem:$0x12000] =	vst v63  }
0x48: {  	s6 =	sadd.s32 $0xA00, s15;
	s7 =	simm.s32 $0x4180;
	s23 =	simm.s32 $0x400  }
.LBB2_2:
0x49: {  	[tilespmem:s24], [sflag:$0x4] =	stream.indirect.gather [hbm4b:s3+s18], $0x80, s7, s18, $0xb8;
	[tilespmem:$0x12000] =	vst v63  }
0x4a: {  	s7 =	smov.u32 s23  }
0x4b: {  	p0 =	sne.s32 s23, $0xF000;
	s23 =	sadd.s32 $0x400, s23;
	_ =	swait.ge [sflag:s25], $0x2800  }
0x4c: {  	[sflag:s25] =	ssyncset.done $0x0  }
0x4d: {  	[sflag:s25] =	ssyncadd.s32 $0xFFFFD800  }
0x4e: {  	_ =	swait.ge [sflag:s26], $0x2800  }
0x4f: {  	[sflag:s26] =	ssyncset.done $0x0  }
0x50: {  	s8 =	sadd.s32 $0xFFFFFB00, s5;
	[sflag:s26] =	ssyncadd.s32 $0xFFFFD800  }
0x51: {  	[hbm4b:s8+s4] =	stream.linear.scatter [tilespmem:s19], [sflag:$0x5], $0x2800, $0x38;
	[tilespmem:$0x12000] =	vst v63  }
0x52: {  	s8 =	sadd.s32 $0xFFFFFB00, s6  }
0x53: {  	[hbm4b:s8+s4] =	stream.linear.scatter [tilespmem:s20], [sflag:$0x7], $0x2800, $0x38;
	[tilespmem:$0x12000] =	vst v63  }
0x54: {  	_ =	swait.ge [sflag:s28], $0x2800  }
0x55: {  	[sflag:s28] =	ssyncset.done $0x0  }
0x56: {  	[sflag:s28] =	ssyncadd.s32 $0xFFFFD800  }
0x57: {  	_ =	swait.ge [sflag:s29], $0x2800  }
0x58: {  	[sflag:s29] =	ssyncset.done $0x0  }
0x59: {  	[sflag:s29] =	ssyncadd.s32 $0xFFFFD800  }
0x5a: {  	[hbm4b:s5+s4] =	stream.linear.scatter [tilespmem:s22], [sflag:$0x6], $0x2800, $0x38;
	[tilespmem:$0x12000] =	vst v63  }
0x5b: {  	_ = 	snop  }
0x5c: {  	[hbm4b:s6+s4] =	stream.linear.scatter [tilespmem:s24], [sflag:$0x8], $0x2800, $0x38;
	[tilespmem:$0x12000] =	vst v63  }
0x5d: {  	_ =	swait.ge [sflag:s30], $0x2800  }
0x5e: {  	[sflag:s30] =	ssyncset.done $0x0  }
0x5f: {  	[sflag:s30] =	ssyncadd.s32 $0xFFFFD800  }
0x60: {  	_ =	swait.ge [sflag:s31], $0x2800  }
0x61: {  	s7 =	sshra.s32 s7, $0x2;
	[sflag:s31] =	ssyncset.done $0x0  }
0x62: {  	s8 =	sadd.s32 $0x100, s7;
	[sflag:s31] =	ssyncadd.s32 $0xFFFFD800  }
0x63: {  	[tilespmem:s19], [sflag:$0x1] =	stream.indirect.gather [hbm4b:s0+s18], $0x80, s8, s18, $0xb8;
	[tilespmem:$0x12000] =	vst v63  }
0x64: {  	s8 =	sadd.s32 $0x4100, s7  }
0x65: {  	[tilespmem:s20], [sflag:$0x3] =	stream.indirect.gather [hbm4b:s3+s18], $0x80, s8, s18, $0xb8;
	[tilespmem:$0x12000] =	vst v63  }
0x66: {  	_ =	swait.ge [sflag:s1], $0x2800  }
0x67: {  	[sflag:s1] =	ssyncset.done $0x0  }
0x68: {  	[sflag:s1] =	ssyncadd.s32 $0xFFFFD800  }
.Ltmp0:
0x69: {  	_ =	swait.ge [sflag:s2], $0x2800;
	(pc) =	sbr.rel @p0 .LBB2_2-.Ltmp0, $4  }
0x6a: {  	[sflag:s2] =	ssyncset.done $0x0  }
0x6b: {  	s8 =	sadd.s32 $0x180, s7;
	[sflag:s2] =	ssyncadd.s32 $0xFFFFD800  }
0x6c: {  	[tilespmem:s22], [sflag:$0x2] =	stream.indirect.gather [hbm4b:s0+s18], $0x80, s8, s18, $0xb8;
	[tilespmem:$0x12000] =	vst v63  }
0x6d: {  	s5 =	sadd.s32 $0xA00, s5;
	s6 =	sadd.s32 $0xA00, s6;
	s7 =	sadd.s32 $0x4180, s7  }
0x6e: {  	[tilespmem:s24], [sflag:$0x4] =	stream.indirect.gather [hbm4b:s3+s18], $0x80, s7, s18, $0xb8;
	[tilespmem:$0x12000] =	vst v63  }
0x6f: {  	_ =	swait.ge [sflag:s25], $0x2800  }
0x70: {  	[sflag:s25] =	ssyncset.done $0x0  }
0x71: {  	[sflag:s25] =	ssyncadd.s32 $0xFFFFD800  }
0x72: {  	_ =	swait.ge [sflag:s26], $0x2800  }
0x73: {  	[sflag:s26] =	ssyncset.done $0x0  }
0x74: {  	s5 =	rddreg [dreg:$0x6];
	[sflag:s26] =	ssyncadd.s32 $0xFFFFD800  }
0x75: {  	[hbm4b:s5+s4] =	stream.linear.scatter [tilespmem:s19], [sflag:$0x5], $0x2800, $0x38;
	[tilespmem:$0x12000] =	vst v63  }
0x76: {  	s7 =	rddreg [dreg:$0x7]  }
0x77: {  	[hbm4b:s7+s4] =	stream.linear.scatter [tilespmem:s20], [sflag:$0x7], $0x2800, $0x38;
	[tilespmem:$0x12000] =	vst v63  }
0x78: {  	_ =	swait.ge [sflag:s28], $0x2800  }
0x79: {  	[sflag:s28] =	ssyncset.done $0x0  }
0x7a: {  	[sflag:s28] =	ssyncadd.s32 $0xFFFFD800  }
0x7b: {  	_ =	swait.ge [sflag:s29], $0x2800  }
0x7c: {  	[sflag:s29] =	ssyncset.done $0x0  }
0x7d: {  	[sflag:s29] =	ssyncadd.s32 $0xFFFFD800  }
0x7e: {  	[hbm4b:s9+s4] =	stream.linear.scatter [tilespmem:s22], [sflag:$0x6], $0x2800, $0x38;
	[tilespmem:$0x12000] =	vst v63  }
0x7f: {  	_ = 	snop  }
0x80: {  	[hbm4b:s10+s4] =	stream.linear.scatter [tilespmem:s24], [sflag:$0x8], $0x2800, $0x38;
	[tilespmem:$0x12000] =	vst v63  }
0x81: {  	_ =	swait.ge [sflag:s30], $0x2800  }
0x82: {  	[sflag:s30] =	ssyncset.done $0x0  }
0x83: {  	[sflag:s30] =	ssyncadd.s32 $0xFFFFD800  }
0x84: {  	_ =	swait.ge [sflag:s31], $0x2800  }
0x85: {  	[sflag:s31] =	ssyncset.done $0x0  }
0x86: {  	s8 =	simm.s32 $0x3E00;
	[sflag:s31] =	ssyncadd.s32 $0xFFFFD800  }
0x87: {  	[tilespmem:s19], [sflag:$0x1] =	stream.indirect.gather [hbm4b:s0+s18], $0x80, s8, s18, $0xb8;
	[tilespmem:$0x12000] =	vst v63  }
0x88: {  	s23 =	simm.s32 $0x7E00  }
0x89: {  	[tilespmem:s20], [sflag:$0x3] =	stream.indirect.gather [hbm4b:s3+s18], $0x80, s23, s18, $0xb8;
	[tilespmem:$0x12000] =	vst v63  }
0x8a: {  	_ =	swait.ge [sflag:s25], $0x2800  }
0x8b: {  	[sflag:s25] =	ssyncset.done $0x0  }
0x8c: {  	[sflag:s25] =	ssyncadd.s32 $0xFFFFD800  }
0x8d: {  	_ =	swait.ge [sflag:s26], $0x2800  }
0x8e: {  	[sflag:s26] =	ssyncset.done $0x0  }
0x8f: {  	[sflag:s26] =	ssyncadd.s32 $0xFFFFD800  }
0x90: {  	[hbm4b:s11+s4] =	stream.linear.scatter [tilespmem:s19], [sflag:$0x5], $0x2800, $0x38;
	[tilespmem:$0x12000] =	vst v63  }
0x91: {  	_ = 	snop  }
0x92: {  	[hbm4b:s12+s4] =	stream.linear.scatter [tilespmem:s20], [sflag:$0x7], $0x2800, $0x38;
	[tilespmem:$0x12000] =	vst v63  }
0x93: {  	_ =	swait.ge [sflag:s1], $0x2800  }
0x94: {  	[sflag:s1] =	ssyncset.done $0x0  }
0x95: {  	[sflag:s1] =	ssyncadd.s32 $0xFFFFD800  }
0x96: {  	_ =	swait.ge [sflag:s2], $0x2800  }
0x97: {  	[sflag:s2] =	ssyncset.done $0x0  }
0x98: {  	s21 =	sadd.s32 $0x1, s21;
	[sflag:s2] =	ssyncadd.s32 $0xFFFFD800  }
0x99: {  	p0 =	sne.s32 s21, s13;
	_ =	swait.ge [sflag:s30], $0x2800  }
.Ltmp1:
0x9a: {  	[sflag:s30] =	ssyncset.done $0x0;
	(pc) =	sbr.rel @p0 .LBB2_1-.Ltmp1, $4  }
0x9b: {  	[sflag:s30] =	ssyncadd.s32 $0xFFFFD800  }
0x9c: {  	_ =	swait.ge [sflag:s31], $0x2800  }
0x9d: {  	[sflag:s31] =	ssyncset.done $0x0  }
0x9e: {  	[sflag:s31] =	ssyncadd.s32 $0xFFFFD800  }
0x9f: {  	_ =	sfence.sel $0x180000  }
0xa0: {  	[bflag:$0x0] =	sbarrier.arrive $0xFFFF  }
0xa1: {  	_ =	strace $0x90000047  }
0xa2: {  	s0 =	stileid.u32;
	[bflag:$0x2] =	sbarrier.arrive $0xFFFF  }
0xa3: {  	p0 =	sne.s32 s0, $0x0;
	s0 =	rddreg [dreg:$0x3]  }
0xa4: {  	s0 =	sadd.s32 @!p0 $0x100000, s0  }
0xa5: {  	[sflag:s0] =	ssyncadd.tile.s32 @!p0 $0x1;
	_ =	shalt  }
.Lfunc_end2:
_tile_overlayer_lowered:
.L_overlay_start_2:
0xa6: {  	(tag) =	ssettag $0x2  }
0xa7: {  	s0 =	rddreg [dreg:$0x0];
	s2 =	stileid.u32  }
0xa8: {  	s1 =	rddreg [dreg:$0x1];
	p0 =	sne.s32 s2, $0x0  }
0xa9: {  	s3 =	rddreg [dreg:$0x2];
	[bflag:$0x3] =	sbarrier.arrive $0xFFFF;
	s2 =	simm.s32 @!p0 $0x1C09  }
0xaa: {  	[timem:s3], [sflag:s2] =	dma.local @!p0 [hbm:s0], s1  }
0xab: {  	s0 =	simm.s32 @!p0 $0x9  }
0xac: {  	_ =	swait.ge @!p0 [sflag:s0], s1  }
0xad: {  	s1 =	ssub.s32 @!p0 $0x0, s1;
	[sflag:s0] =	ssyncset.done @!p0 $0x0  }
0xae: {  	[sflag:s0] =	ssyncadd.s32 @!p0 s1  }
0xaf: {  	[bflag:$0x3] =	sbarrier.arrive $0xFFFF  }
0xb0: {  	_ =	shalt  }

</sc_bundles>
